<compile_context>
chip_gen: v7x
topology: tpu7x:2x2x1
jax: 0.10.2.dev20260603
libtpu: 0.0.44.dev20260713+nightly
codegen_flags: <defaults>
</compile_context>

<pallas_src>
import functools

import jax
import jax.numpy as jnp
from jax import lax
from jax.experimental import pallas as pl
from jax.experimental.pallas import tpu as pltpu
from jax.experimental.pallas import tpu_sc as plsc

N = 10000
E = 320000
HID = 128
NUM_NODE_TYPES = 8
NUM_CLASSES = 10

NC = 2
NS = 16
NW = NC * NS
CHUNK = 128
CHUNKS = 79
E_PAD = NW * CHUNKS * CHUNK
NPAD = 10240
DUMMY = NPAD - 8
RPT = NPAD // NS

_mesh = plsc.VectorSubcoreMesh(
    core_axis_name="c", subcore_axis_name="s", num_cores=NC, num_subcores=NS
)



@functools.partial(
    pl.kernel,
    out_type=jax.ShapeDtypeStruct((NC * NPAD,), jnp.float32),
    mesh=_mesh,
    scratch_types=[
        pltpu.VMEM((CHUNKS, CHUNK), jnp.int32),
        pltpu.VMEM((CHUNK,), jnp.float32),
        pltpu.VMEM_SHARED((NPAD,), jnp.float32),
    ],
)
def _deg_kernel(dst_hbm, ones_hbm, zeros_hbm, out_hbm, dst_v, ones_v, deg_sh):
    cid = lax.axis_index("c")
    sid = lax.axis_index("s")
    w = cid * NS + sid
    r0 = sid * RPT
    pltpu.sync_copy(zeros_hbm.at[pl.ds(r0, RPT)], deg_sh.at[pl.ds(r0, RPT)])
    pltpu.sync_copy(ones_hbm, ones_v)
    pltpu.sync_copy(dst_hbm.at[w], dst_v)
    plsc.subcore_barrier()

    def body(j, c):
        pltpu.sync_copy(ones_v, deg_sh.at[dst_v.at[j]], add=True)
        return c

    lax.fori_loop(0, CHUNKS, body, 0)
    plsc.subcore_barrier()
    pltpu.sync_copy(deg_sh.at[pl.ds(r0, RPT)],
                    out_hbm.at[pl.ds(cid * NPAD + r0, RPT)])


@functools.partial(
    pl.kernel,
    out_type=jax.ShapeDtypeStruct((NC * NPAD, HID), jnp.float32),
    mesh=_mesh,
    scratch_types=[
        pltpu.VMEM((CHUNKS, CHUNK), jnp.int32),
        pltpu.VMEM((CHUNKS, CHUNK), jnp.int32),
        pltpu.VMEM((CHUNK, HID), jnp.float32),
        pltpu.VMEM_SHARED((NPAD, HID), jnp.float32),
        pltpu.SemaphoreType.DMA,
    ],
)
def _agg_kernel(g_hbm, src_hbm, dst_hbm, zeros_hbm, out_hbm,
                src_v, dst_v, rows_v, acc_sh, sem):
    cid = lax.axis_index("c")
    sid = lax.axis_index("s")
    w = cid * NS + sid
    r0 = sid * RPT
    pltpu.sync_copy(zeros_hbm.at[pl.ds(r0, RPT)], acc_sh.at[pl.ds(r0, RPT)])
    pltpu.sync_copy(src_hbm.at[w], src_v)
    pltpu.sync_copy(dst_hbm.at[w], dst_v)
    plsc.subcore_barrier()

    def body(j, c):
        pltpu.async_copy(g_hbm.at[src_v.at[j]], rows_v, sem).wait()
        pltpu.sync_copy(rows_v, acc_sh.at[dst_v.at[j]], add=True)
        return c

    lax.fori_loop(0, CHUNKS, body, 0)
    plsc.subcore_barrier()
    pltpu.sync_copy(acc_sh.at[pl.ds(r0, RPT)],
                    out_hbm.at[pl.ds(cid * NPAD + r0, RPT)])


NT = 8


@functools.partial(
    pl.kernel,
    out_type=jax.ShapeDtypeStruct((NC * NPAD * NT,), jnp.float32),
    mesh=_mesh,
    scratch_types=[
        pltpu.VMEM((CHUNKS, CHUNK), jnp.int32),
        pltpu.VMEM((CHUNKS, CHUNK), jnp.int32),
        pltpu.VMEM((CHUNK,), jnp.float32),
        pltpu.VMEM((CHUNK,), jnp.float32),
        pltpu.VMEM((CHUNK,), jnp.int32),
        pltpu.VMEM_SHARED((NPAD * NT,), jnp.float32),
        pltpu.SemaphoreType.DMA,
    ],
)
def _t8_kernel(p_hbm, src_hbm, dst_hbm, zeros_hbm, out_hbm,
               src_v, dst_v, pg, dg, sidx, t_sh, sem):
    cid = lax.axis_index("c")
    sid = lax.axis_index("s")
    w = cid * NS + sid
    r0 = sid * RPT * NT
    pltpu.sync_copy(zeros_hbm.at[pl.ds(r0, RPT * NT)],
                    t_sh.at[pl.ds(r0, RPT * NT)])
    pltpu.sync_copy(src_hbm.at[w], src_v)
    pltpu.sync_copy(dst_hbm.at[w], dst_v)
    plsc.subcore_barrier()

    def body(j, c):
        pltpu.async_copy(p_hbm.at[src_v.at[j]], pg, sem).wait()
        dj = dst_v.at[j]
        for k in range(CHUNK // 16):
            sl = pl.ds(k * 16, 16)
            pk = pg[sl]
            xi = (pk * 0.25).astype(jnp.int32)
            dg[sl] = pk - (xi * 4).astype(jnp.float32)
            sidx[sl] = dj[sl] * NT + xi
        pltpu.sync_copy(dg, t_sh.at[sidx], add=True)
        return c

    lax.fori_loop(0, CHUNKS, body, 0)
    plsc.subcore_barrier()
    pltpu.sync_copy(t_sh.at[pl.ds(r0, RPT * NT)],
                    out_hbm.at[pl.ds(cid * NPAD * NT + r0, RPT * NT)])



def _dinv(dp_ref):
    dp = dp_ref[...]
    return lax.rsqrt(dp[0] + dp[1] + 1.0)[:N]


def _onehot(x_ref):
    return (x_ref[...] ==
            lax.broadcasted_iota(jnp.int32, (N, NUM_NODE_TYPES), 1)
            ).astype(jnp.float32)


def _dv_body(dp_ref, x_ref, dv_ref):
    d = _dinv(dp_ref)
    p = x_ref[...].astype(jnp.float32) * 4.0 + d
    dv_ref[pl.ds(0, N)] = p
    dv_ref[pl.ds(N, NPAD - N)] = jnp.zeros((NPAD - N, 1), jnp.float32)


_dv = pl.pallas_call(
    _dv_body,
    out_shape=jax.ShapeDtypeStruct((NPAD, 1), jnp.float32),
)


def _lay1_body(t_ref, dp_ref, x_ref, emb_ref, w0_ref, b_ref, w1_ref, out_ref):
    d = _dinv(dp_ref)
    tbl = jnp.dot(emb_ref[...], w0_ref[...],
                  preferred_element_type=jnp.float32)
    t = t_ref[...]
    tsum = t[0, :N] + t[1, :N]
    s1 = jnp.dot(tsum, tbl, preferred_element_type=jnp.float32)
    g0 = jnp.dot(_onehot(x_ref), tbl,
                 preferred_element_type=jnp.float32) * d
    h1 = jax.nn.relu(d * (s1 + g0) + b_ref[...])
    out_ref[...] = jnp.dot(h1, w1_ref[...],
                           preferred_element_type=jnp.float32) * d


_lay1 = pl.pallas_call(
    _lay1_body,
    out_shape=jax.ShapeDtypeStruct((N, HID), jnp.float32),
)


def _mid_body(s_ref, g_ref, dp_ref, b_ref, w_ref, out_ref):
    d = _dinv(dp_ref)
    s = s_ref[...]
    h = jax.nn.relu(d * (s[0, :N] + s[1, :N] + g_ref[...]) + b_ref[...])
    out_ref[...] = jnp.dot(h, w_ref[...],
                           preferred_element_type=jnp.float32) * d


_mid = pl.pallas_call(
    _mid_body,
    out_shape=jax.ShapeDtypeStruct((N, HID), jnp.float32),
)


def _head_body(s_ref, g_ref, dp_ref, b2_ref, wh0_ref, bh0_ref, wh1_ref,
               bh1_ref, y_ref, pred_ref, tc_ref):
    d = _dinv(dp_ref)
    s = s_ref[...]
    h = jax.nn.relu(d * (s[0, :N] + s[1, :N] + g_ref[...]) + b2_ref[...])
    t = jax.nn.relu(jnp.dot(h, wh0_ref[...],
                            preferred_element_type=jnp.float32) + bh0_ref[...])
    pred_ref[...] = jnp.dot(t, wh1_ref[...],
                            preferred_element_type=jnp.float32) + bh1_ref[...]
    y = y_ref[...]
    tc_ref[...] = jnp.where(y != -1, y, -1)


_head = pl.pallas_call(
    _head_body,
    out_shape=(
        jax.ShapeDtypeStruct((N, HID), jnp.float32),
        jax.ShapeDtypeStruct((N, 1), jnp.int32),
    ),
)



@jax.jit
def kernel(x, edge_index, edge_attr, y, node_emb, edge_emb,
           W0, b0, W1, b1, W2, b2, Wh0, bh0, Wh1, bh1):
    del edge_attr, edge_emb
    ei = edge_index.astype(jnp.int32)
    src = jnp.concatenate(
        [ei[0], jnp.zeros((E_PAD - E,), jnp.int32)]).reshape(NW, CHUNKS, CHUNK)
    dst = jnp.concatenate(
        [ei[1], jnp.full((E_PAD - E,), DUMMY, jnp.int32)]
    ).reshape(NW, CHUNKS, CHUNK)

    ones_c = jnp.ones((CHUNK,), jnp.float32)
    zeros_n = jnp.zeros((NPAD,), jnp.float32)
    zeros_nh = jnp.zeros((NPAD, HID), jnp.float32)
    zeros_t8 = jnp.zeros((NPAD * NT,), jnp.float32)

    dp = _deg_kernel(dst, ones_c, zeros_n).reshape(NC, NPAD, 1)

    x2 = x.astype(jnp.int32).reshape(N, 1)
    y2 = y.astype(jnp.int32).reshape(N, 1)
    b0r = b0.reshape(1, HID)
    b1r = b1.reshape(1, HID)
    b2r = b2.reshape(1, HID)
    bh0r = bh0.reshape(1, HID)
    wh1p = jnp.zeros((HID, HID), jnp.float32).at[:, :NUM_CLASSES].set(Wh1)
    bh1p = jnp.zeros((1, HID), jnp.float32).at[0, :NUM_CLASSES].set(bh1)

    pv = _dv(dp, x2).reshape(NPAD)
    t8 = _t8_kernel(pv, src, dst, zeros_t8).reshape(NC, NPAD, NT)
    g1 = _lay1(t8, dp, x2, node_emb, W0, b0r, W1)
    s1 = _agg_kernel(g1, src, dst, zeros_nh).reshape(NC, NPAD, HID)
    g2 = _mid(s1, g1, dp, b1r, W2)
    s2 = _agg_kernel(g2, src, dst, zeros_nh).reshape(NC, NPAD, HID)
    pred_pad, tc = _head(s2, g2, dp, b2r, Wh0, bh0r, wh1p, bh1p, y2)

    pred = pred_pad[:, :NUM_CLASSES]
    true_class = tc.reshape(N)
    true_label = jnp.full((N,), -1.0, jnp.float32)
    return pred, true_class, true_label

# --- scband reference (transcript-rebuilt; emitter-appended) ---
"""Pipeline reference for scband-graph-head-72327249264841 (READ-ONLY COPY).

The authoritative reference and input builder live on the scoring server;
editing this copy changes nothing except your own understanding.
"""

import jax, jax.numpy as jnp
import numpy as np

N = 10000
E = 320000
HID = 128
NUM_NODE_TYPES = 8
NUM_EDGE_TYPES = 5
NUM_CLASSES = 10


def gcn_conv(h, src, dst, deg_inv_sqrt, W, b):
    h = h @ W
    norm = deg_inv_sqrt[src] * deg_inv_sqrt[dst]
    msg = h[src] * norm[:, None]
    agg = jax.ops.segment_sum(msg, dst, num_segments=N)
    return agg + b


def setup_inputs(seed: int = 0) -> dict:
    key = jax.random.key(seed)
    ks = jax.random.split(key, 16)
    inp = {}
    inp["x"] = jax.random.randint(ks[0], (N,), 0, NUM_NODE_TYPES, dtype=jnp.int64) if jax.config.read('jax_enable_x64') else jax.random.randint(ks[0], (N,), 0, NUM_NODE_TYPES)
    inp["edge_index"] = jax.random.randint(ks[1], (2, E), 0, N)
    inp["edge_attr"] = jax.random.randint(ks[2], (E,), 0, NUM_EDGE_TYPES)
    inp["y"] = jax.random.randint(ks[3], (N,), 0, NUM_CLASSES)
    # learned parameters
    inp["node_emb"] = jax.random.normal(ks[4], (NUM_NODE_TYPES, HID), dtype=jnp.float32) * 0.02
    inp["edge_emb"] = jax.random.normal(ks[5], (NUM_EDGE_TYPES, HID), dtype=jnp.float32) * 0.02
    for i in range(3):
        inp[f"W{i}"] = jax.random.normal(ks[6 + i], (HID, HID), dtype=jnp.float32) / np.sqrt(HID)
        inp[f"b{i}"] = jnp.zeros((HID,), dtype=jnp.float32)
    inp["Wh0"] = jax.random.normal(ks[9], (HID, HID), dtype=jnp.float32) / np.sqrt(HID)
    inp["bh0"] = jnp.zeros((HID,), dtype=jnp.float32)
    inp["Wh1"] = jax.random.normal(ks[10], (HID, NUM_CLASSES), dtype=jnp.float32) / np.sqrt(HID)
    inp["bh1"] = jnp.zeros((NUM_CLASSES,), dtype=jnp.float32)
    return inp


def reference(x, edge_index, edge_attr, y, node_emb, edge_emb,
              W0, b0, W1, b1, W2, b2, Wh0, bh0, Wh1, bh1):
    # FeatureEncoder: type-embedding lookups for node and edge features
    h = node_emb[x]                       # [N, HID]
    e = edge_emb[edge_attr]               # [E, HID] (unused by GCNConv, faithful to gcn branch)
    del e
    # GCN normalization with self-loops
    loop = jnp.arange(N, dtype=edge_index.dtype)
    src = jnp.concatenate([edge_index[0], loop])
    dst = jnp.concatenate([edge_index[1], loop])
    deg = jax.ops.segment_sum(jnp.ones_like(src, dtype=h.dtype), dst, num_segments=N)
    deg_inv_sqrt = jnp.where(deg > 0, 1.0 / jnp.sqrt(deg), 0.0)
    # 3 GCN layers with ReLU (use_bn=False, dropout=0 -> identity in eval)
    for W, b in ((W0, b0), (W1, b1), (W2, b2)):
        h = gcn_conv(h, src, dst, deg_inv_sqrt, W, b)
        h = jax.nn.relu(h)
    # Decoder head MLP (2 layers), node-level classification
    pred = jax.nn.relu(h @ Wh0 + bh0) @ Wh1 + bh1
    valid_mask = y != -1
    true_class = jnp.where(valid_mask, y, -1)
    true_label = jnp.full(y.shape, -1.0, dtype=jnp.float32)
    return pred, true_class, true_label

if __name__ == "__main__":
    import jax
    _d = setup_inputs()
    print(jax.jit(kernel)(*tuple(_d.values())))

</pallas_src>

<mosaic_0001>
#map = affine_map<(d0, d1) -> (0)>
#map1 = affine_map<(d0, d1) -> (0, 0, 0)>
module attributes {stable_mosaic.version = 14 : i64} {
  func.func @_t8_kernel(%arg0: i32, %arg1: i32, %arg2: memref<10240xf32, #tpu.memory_space<hbm>>, %arg3: memref<32x79x128xi32, #tpu.memory_space<hbm>>, %arg4: memref<32x79x128xi32, #tpu.memory_space<hbm>>, %arg5: memref<81920xf32, #tpu.memory_space<hbm>>, %arg6: memref<163840xf32, #tpu.memory_space<hbm>>, %arg7: memref<79x128xi32, #tpu.memory_space<vmem>>, %arg8: memref<79x128xi32, #tpu.memory_space<vmem>>, %arg9: memref<128xf32, #tpu.memory_space<vmem>>, %arg10: memref<128xf32, #tpu.memory_space<vmem>>, %arg11: memref<128xi32, #tpu.memory_space<vmem>>, %arg12: memref<81920xf32, #tpu.memory_space<vmem_shared>>, %arg13: memref<!tpu.dma_semaphore, #tpu.memory_space<semaphore_mem>>) attributes {dimension_semantics = [#tpu.dimension_semantics<core_parallel>, #tpu.dimension_semantics<subcore_parallel>], iteration_bounds = array<i64: 2, 16>, scalar_prefetch = 0 : i64, scratch_operands = 7 : i64, tpu.core_type = #tpu.core_type<sc_vector_subcore>, window_params = [{transform_indices = #map}, {transform_indices = #map1}, {transform_indices = #map1}, {transform_indices = #map}, {transform_indices = #map}]} {
    %mul3A = arith.constant 16 : i32
    %mul3A_0 = arith.muli %arg0, %mul3A : i32
    %add3A = arith.addi %mul3A_0, %arg1 : i32
    %mul3A_1 = arith.constant 640 : i32
    %mul3A_2 = arith.muli %arg1, %mul3A_1 : i32
    %mul3A_3 = arith.constant 8 : i32
    %mul3A_4 = arith.muli %mul3A_2, %mul3A_3 : i32
    "tpu.region"() ({
      %run_scoped3A = tpu.sem_alloc : memref<!tpu.dma_semaphore, #tpu.memory_space<semaphore_mem>>
      %dma_start3A = tpu.memref_slice %arg12[%mul3A_4] : memref<81920xf32, #tpu.memory_space<vmem_shared>> -> memref<5120xf32, #tpu.memory_space<vmem_shared>>
      %dma_start3A_16 = tpu.memref_slice %arg5[%mul3A_4] : memref<81920xf32, #tpu.memory_space<hbm>> -> memref<5120xf32, #tpu.memory_space<hbm>>
      tpu.enqueue_dma source(%dma_start3A_16 : memref<5120xf32, #tpu.memory_space<hbm>>) target(%dma_start3A : memref<5120xf32, #tpu.memory_space<vmem_shared>>) target_semaphore(%run_scoped3A : memref<!tpu.dma_semaphore, #tpu.memory_space<semaphore_mem>>)
      %dma_wait3A = tpu.memref_slice %arg12[%mul3A_4] : memref<81920xf32, #tpu.memory_space<vmem_shared>> -> memref<5120xf32, #tpu.memory_space<vmem_shared>>
      %dma_wait3A_17 = tpu.memref_slice %arg5[%mul3A_4] : memref<81920xf32, #tpu.memory_space<hbm>> -> memref<5120xf32, #tpu.memory_space<hbm>>
      tpu.wait_dma2 semaphore(%run_scoped3A : memref<!tpu.dma_semaphore, #tpu.memory_space<semaphore_mem>>) src(%dma_wait3A_17 : memref<5120xf32, #tpu.memory_space<hbm>>) dst(%dma_wait3A : memref<5120xf32, #tpu.memory_space<vmem_shared>>)
      tpu.yield
    }) : () -> ()
    "tpu.region"() ({
      %run_scoped3A = tpu.sem_alloc : memref<!tpu.dma_semaphore, #tpu.memory_space<semaphore_mem>>
      %dma_start3A = arith.constant 0 : i32
      %dma_start3A_16 = arith.constant 0 : i32
      %dma_start3A_17 = tpu.memref_slice %arg3[%add3A, %dma_start3A, %dma_start3A_16] : memref<32x79x128xi32, #tpu.memory_space<hbm>> -> memref<1x79x128xi32, #tpu.memory_space<hbm>>
      %dma_start3A_18 = tpu.memref_squeeze %dma_start3A_17 : memref<1x79x128xi32, #tpu.memory_space<hbm>> -> memref<79x128xi32, #tpu.memory_space<hbm>>
      %dma_start3A_19 = arith.constant 0 : i32
      %dma_start3A_20 = arith.constant 0 : i32
      %dma_start3A_21 = tpu.memref_slice %arg3[%add3A, %dma_start3A_19, %dma_start3A_20] : memref<32x79x128xi32, #tpu.memory_space<hbm>> -> memref<1x79x128xi32, #tpu.memory_space<hbm>>
      %dma_start3A_22 = tpu.memref_squeeze %dma_start3A_21 : memref<1x79x128xi32, #tpu.memory_space<hbm>> -> memref<79x128xi32, #tpu.memory_space<hbm>>
      tpu.enqueue_dma source(%dma_start3A_22 : memref<79x128xi32, #tpu.memory_space<hbm>>) target(%arg7 : memref<79x128xi32, #tpu.memory_space<vmem>>) target_semaphore(%run_scoped3A : memref<!tpu.dma_semaphore, #tpu.memory_space<semaphore_mem>>)
      %dma_wait3A = arith.constant 0 : i32
      %dma_wait3A_23 = arith.constant 0 : i32
      %dma_wait3A_24 = tpu.memref_slice %arg3[%add3A, %dma_wait3A, %dma_wait3A_23] : memref<32x79x128xi32, #tpu.memory_space<hbm>> -> memref<1x79x128xi32, #tpu.memory_space<hbm>>
      %dma_wait3A_25 = tpu.memref_squeeze %dma_wait3A_24 : memref<1x79x128xi32, #tpu.memory_space<hbm>> -> memref<79x128xi32, #tpu.memory_space<hbm>>
      %dma_wait3A_26 = arith.constant 0 : i32
      %dma_wait3A_27 = arith.constant 0 : i32
      %dma_wait3A_28 = tpu.memref_slice %arg3[%add3A, %dma_wait3A_26, %dma_wait3A_27] : memref<32x79x128xi32, #tpu.memory_space<hbm>> -> memref<1x79x128xi32, #tpu.memory_space<hbm>>
      %dma_wait3A_29 = tpu.memref_squeeze %dma_wait3A_28 : memref<1x79x128xi32, #tpu.memory_space<hbm>> -> memref<79x128xi32, #tpu.memory_space<hbm>>
      tpu.wait_dma2 semaphore(%run_scoped3A : memref<!tpu.dma_semaphore, #tpu.memory_space<semaphore_mem>>) src(%dma_wait3A_29 : memref<79x128xi32, #tpu.memory_space<hbm>>) dst(%arg7 : memref<79x128xi32, #tpu.memory_space<vmem>>)
      tpu.yield
    }) : () -> ()
    "tpu.region"() ({
      %run_scoped3A = tpu.sem_alloc : memref<!tpu.dma_semaphore, #tpu.memory_space<semaphore_mem>>
      %dma_start3A = arith.constant 0 : i32
      %dma_start3A_16 = arith.constant 0 : i32
      %dma_start3A_17 = tpu.memref_slice %arg4[%add3A, %dma_start3A, %dma_start3A_16] : memref<32x79x128xi32, #tpu.memory_space<hbm>> -> memref<1x79x128xi32, #tpu.memory_space<hbm>>
      %dma_start3A_18 = tpu.memref_squeeze %dma_start3A_17 : memref<1x79x128xi32, #tpu.memory_space<hbm>> -> memref<79x128xi32, #tpu.memory_space<hbm>>
      %dma_start3A_19 = arith.constant 0 : i32
      %dma_start3A_20 = arith.constant 0 : i32
      %dma_start3A_21 = tpu.memref_slice %arg4[%add3A, %dma_start3A_19, %dma_start3A_20] : memref<32x79x128xi32, #tpu.memory_space<hbm>> -> memref<1x79x128xi32, #tpu.memory_space<hbm>>
      %dma_start3A_22 = tpu.memref_squeeze %dma_start3A_21 : memref<1x79x128xi32, #tpu.memory_space<hbm>> -> memref<79x128xi32, #tpu.memory_space<hbm>>
      tpu.enqueue_dma source(%dma_start3A_22 : memref<79x128xi32, #tpu.memory_space<hbm>>) target(%arg8 : memref<79x128xi32, #tpu.memory_space<vmem>>) target_semaphore(%run_scoped3A : memref<!tpu.dma_semaphore, #tpu.memory_space<semaphore_mem>>)
      %dma_wait3A = arith.constant 0 : i32
      %dma_wait3A_23 = arith.constant 0 : i32
      %dma_wait3A_24 = tpu.memref_slice %arg4[%add3A, %dma_wait3A, %dma_wait3A_23] : memref<32x79x128xi32, #tpu.memory_space<hbm>> -> memref<1x79x128xi32, #tpu.memory_space<hbm>>
      %dma_wait3A_25 = tpu.memref_squeeze %dma_wait3A_24 : memref<1x79x128xi32, #tpu.memory_space<hbm>> -> memref<79x128xi32, #tpu.memory_space<hbm>>
      %dma_wait3A_26 = arith.constant 0 : i32
      %dma_wait3A_27 = arith.constant 0 : i32
      %dma_wait3A_28 = tpu.memref_slice %arg4[%add3A, %dma_wait3A_26, %dma_wait3A_27] : memref<32x79x128xi32, #tpu.memory_space<hbm>> -> memref<1x79x128xi32, #tpu.memory_space<hbm>>
      %dma_wait3A_29 = tpu.memref_squeeze %dma_wait3A_28 : memref<1x79x128xi32, #tpu.memory_space<hbm>> -> memref<79x128xi32, #tpu.memory_space<hbm>>
      tpu.wait_dma2 semaphore(%run_scoped3A : memref<!tpu.dma_semaphore, #tpu.memory_space<semaphore_mem>>) src(%dma_wait3A_29 : memref<79x128xi32, #tpu.memory_space<hbm>>) dst(%arg8 : memref<79x128xi32, #tpu.memory_space<vmem>>)
      tpu.yield
    }) : () -> ()
    %barrier3A = arith.constant 0 : index
    tpu.barrier barrier_id(%barrier3A)
    %scan3A = arith.constant 0 : i32
    %scan3A_5 = arith.constant 0 : i32
    %scan3A_6 = arith.constant 79 : i32
    %scan3A_7 = arith.addi %scan3A_5, %scan3A_6 : i32
    %scan3A_8 = arith.constant 1 : i32
    scf.for %scan3A_16 = %scan3A_5 to %scan3A_7 step %scan3A_8  : i32 {
      %dma_start3A = arith.constant 0 : i32
      %dma_start3A_17 = tpu.memref_slice %arg7[%scan3A_16, %dma_start3A] : memref<79x128xi32, #tpu.memory_space<vmem>> -> memref<1x128xi32, #tpu.memory_space<vmem>>
      %dma_start3A_18 = tpu.memref_squeeze %dma_start3A_17 : memref<1x128xi32, #tpu.memory_space<vmem>> -> memref<128xi32, #tpu.memory_space<vmem>>
      %dma_start3A_19 = arith.constant 0 : i32
      %dma_start3A_20 = tpu.memref_slice %arg2[%dma_start3A_19] : memref<10240xf32, #tpu.memory_space<hbm>> -> memref<10240xf32, #tpu.memory_space<hbm>>
      tpu.enqueue_indirect_dma source(%dma_start3A_20 : memref<10240xf32, #tpu.memory_space<hbm>>) target(%arg9 : memref<128xf32, #tpu.memory_space<vmem>>) offsets(%dma_start3A_18 : memref<128xi32, #tpu.memory_space<vmem>>) semaphore(%arg13 : memref<!tpu.dma_semaphore, #tpu.memory_space<semaphore_mem>>)
      %dma_wait3A = arith.constant 0 : i32
      %dma_wait3A_21 = tpu.memref_slice %arg7[%scan3A_16, %dma_wait3A] : memref<79x128xi32, #tpu.memory_space<vmem>> -> memref<1x128xi32, #tpu.memory_space<vmem>>
      %dma_wait3A_22 = tpu.memref_squeeze %dma_wait3A_21 : memref<1x128xi32, #tpu.memory_space<vmem>> -> memref<128xi32, #tpu.memory_space<vmem>>
      %dma_wait3A_23 = arith.constant 0 : i32
      %dma_wait3A_24 = tpu.memref_slice %arg2[%dma_wait3A_23] : memref<10240xf32, #tpu.memory_space<hbm>> -> memref<10240xf32, #tpu.memory_space<hbm>>
      tpu.wait_indirect_dma semaphore(%arg13 : memref<!tpu.dma_semaphore, #tpu.memory_space<semaphore_mem>>) src(%dma_wait3A_24 : memref<10240xf32, #tpu.memory_space<hbm>>) dst(%arg9 : memref<128xf32, #tpu.memory_space<vmem>>)
      %get3A = arith.constant 0 : index
      %get3A_25 = tpu.vector_load %arg9[%get3A] {strides = array<i32>} : memref<128xf32, #tpu.memory_space<vmem>>, vector<16xf32>,
      %get3A_26 = vector.shape_cast %get3A_25 : vector<16xf32> to vector<16xf32>
      %mul3A_27 = arith.constant 2.500000e-01 : f32
      %mul3A_28 = vector.broadcast %mul3A_27 : f32 to vector<16xf32>
      %mul3A_29 = arith.mulf %get3A_26, %mul3A_28 : vector<16xf32>
      %convert_element_type3A = arith.fptosi %mul3A_29 : vector<16xf32> to vector<16xi32>
      %mul3A_30 = arith.constant 4 : i32
      %mul3A_31 = vector.broadcast %mul3A_30 : i32 to vector<16xi32>
      %mul3A_32 = arith.muli %convert_element_type3A, %mul3A_31 : vector<16xi32>
      %convert_element_type3A_33 = arith.sitofp %mul3A_32 : vector<16xi32> to vector<16xf32>
      %sub3A = arith.subf %get3A_26, %convert_element_type3A_33 : vector<16xf32>
      %swap3A = arith.constant 0 : index
      %swap3A_34 = tpu.vector_load %arg10[%swap3A] {strides = array<i32>} : memref<128xf32, #tpu.memory_space<vmem>>, vector<16xf32>,
      %swap3A_35 = vector.shape_cast %swap3A_34 : vector<16xf32> to vector<16xf32>
      %swap3A_36 = vector.shape_cast %sub3A : vector<16xf32> to vector<16xf32>
      tpu.vector_store %arg10[%swap3A], %swap3A_36 {strides = array<i32>} : memref<128xf32, #tpu.memory_space<vmem>>, vector<16xf32>,
      %get3A_37 = arith.constant 0 : i32
      %get3A_38 = tpu.memref_slice %arg8[%scan3A_16, %get3A_37] : memref<79x128xi32, #tpu.memory_space<vmem>> -> memref<1x128xi32, #tpu.memory_space<vmem>>
      %get3A_39 = tpu.memref_squeeze %get3A_38 : memref<1x128xi32, #tpu.memory_space<vmem>> -> memref<128xi32, #tpu.memory_space<vmem>>
      %get3A_40 = arith.constant 0 : index
      %get3A_41 = tpu.vector_load %get3A_39[%get3A_40] {strides = array<i32>} : memref<128xi32, #tpu.memory_space<vmem>>, vector<16xi32>,
      %get3A_42 = vector.shape_cast %get3A_41 : vector<16xi32> to vector<16xi32>
      %mul3A_43 = arith.constant 8 : i32
      %mul3A_44 = vector.broadcast %mul3A_43 : i32 to vector<16xi32>
      %mul3A_45 = arith.muli %get3A_42, %mul3A_44 : vector<16xi32>
      %add3A_46 = arith.addi %mul3A_45, %convert_element_type3A : vector<16xi32>
      %swap3A_47 = arith.constant 0 : index
      %swap3A_48 = tpu.vector_load %arg11[%swap3A_47] {strides = array<i32>} : memref<128xi32, #tpu.memory_space<vmem>>, vector<16xi32>,
      %swap3A_49 = vector.shape_cast %swap3A_48 : vector<16xi32> to vector<16xi32>
      %swap3A_50 = vector.shape_cast %add3A_46 : vector<16xi32> to vector<16xi32>
      tpu.vector_store %arg11[%swap3A_47], %swap3A_50 {strides = array<i32>} : memref<128xi32, #tpu.memory_space<vmem>>, vector<16xi32>,
      %get3A_51 = arith.constant 16 : index
      %get3A_52 = tpu.vector_load %arg9[%get3A_51] {strides = array<i32>} : memref<128xf32, #tpu.memory_space<vmem>>, vector<16xf32>,
      %get3A_53 = vector.shape_cast %get3A_52 : vector<16xf32> to vector<16xf32>
      %mul3A_54 = arith.constant 2.500000e-01 : f32
      %mul3A_55 = vector.broadcast %mul3A_54 : f32 to vector<16xf32>
      %mul3A_56 = arith.mulf %get3A_53, %mul3A_55 : vector<16xf32>
      %convert_element_type3A_57 = arith.fptosi %mul3A_56 : vector<16xf32> to vector<16xi32>
      %mul3A_58 = arith.constant 4 : i32
      %mul3A_59 = vector.broadcast %mul3A_58 : i32 to vector<16xi32>
      %mul3A_60 = arith.muli %convert_element_type3A_57, %mul3A_59 : vector<16xi32>
      %convert_element_type3A_61 = arith.sitofp %mul3A_60 : vector<16xi32> to vector<16xf32>
      %sub3A_62 = arith.subf %get3A_53, %convert_element_type3A_61 : vector<16xf32>
      %swap3A_63 = arith.constant 16 : index
      %swap3A_64 = tpu.vector_load %arg10[%swap3A_63] {strides = array<i32>} : memref<128xf32, #tpu.memory_space<vmem>>, vector<16xf32>,
      %swap3A_65 = vector.shape_cast %swap3A_64 : vector<16xf32> to vector<16xf32>
      %swap3A_66 = vector.shape_cast %sub3A_62 : vector<16xf32> to vector<16xf32>
      tpu.vector_store %arg10[%swap3A_63], %swap3A_66 {strides = array<i32>} : memref<128xf32, #tpu.memory_space<vmem>>, vector<16xf32>,
      %get3A_67 = arith.constant 0 : i32
      %get3A_68 = tpu.memref_slice %arg8[%scan3A_16, %get3A_67] : memref<79x128xi32, #tpu.memory_space<vmem>> -> memref<1x128xi32, #tpu.memory_space<vmem>>
      %get3A_69 = tpu.memref_squeeze %get3A_68 : memref<1x128xi32, #tpu.memory_space<vmem>> -> memref<128xi32, #tpu.memory_space<vmem>>
      %get3A_70 = arith.constant 16 : index
      %get3A_71 = tpu.vector_load %get3A_69[%get3A_70] {strides = array<i32>} : memref<128xi32, #tpu.memory_space<vmem>>, vector<16xi32>,
      %get3A_72 = vector.shape_cast %get3A_71 : vector<16xi32> to vector<16xi32>
      %mul3A_73 = arith.constant 8 : i32
      %mul3A_74 = vector.broadcast %mul3A_73 : i32 to vector<16xi32>
      %mul3A_75 = arith.muli %get3A_72, %mul3A_74 : vector<16xi32>
      %add3A_76 = arith.addi %mul3A_75, %convert_element_type3A_57 : vector<16xi32>
      %swap3A_77 = arith.constant 16 : index
      %swap3A_78 = tpu.vector_load %arg11[%swap3A_77] {strides = array<i32>} : memref<128xi32, #tpu.memory_space<vmem>>, vector<16xi32>,
      %swap3A_79 = vector.shape_cast %swap3A_78 : vector<16xi32> to vector<16xi32>
      %swap3A_80 = vector.shape_cast %add3A_76 : vector<16xi32> to vector<16xi32>
      tpu.vector_store %arg11[%swap3A_77], %swap3A_80 {strides = array<i32>} : memref<128xi32, #tpu.memory_space<vmem>>, vector<16xi32>,
      %get3A_81 = arith.constant 32 : index
      %get3A_82 = tpu.vector_load %arg9[%get3A_81] {strides = array<i32>} : memref<128xf32, #tpu.memory_space<vmem>>, vector<16xf32>,
      %get3A_83 = vector.shape_cast %get3A_82 : vector<16xf32> to vector<16xf32>
      %mul3A_84 = arith.constant 2.500000e-01 : f32
      %mul3A_85 = vector.broadcast %mul3A_84 : f32 to vector<16xf32>
      %mul3A_86 = arith.mulf %get3A_83, %mul3A_85 : vector<16xf32>
      %convert_element_type3A_87 = arith.fptosi %mul3A_86 : vector<16xf32> to vector<16xi32>
      %mul3A_88 = arith.constant 4 : i32
      %mul3A_89 = vector.broadcast %mul3A_88 : i32 to vector<16xi32>
      %mul3A_90 = arith.muli %convert_element_type3A_87, %mul3A_89 : vector<16xi32>
      %convert_element_type3A_91 = arith.sitofp %mul3A_90 : vector<16xi32> to vector<16xf32>
      %sub3A_92 = arith.subf %get3A_83, %convert_element_type3A_91 : vector<16xf32>
      %swap3A_93 = arith.constant 32 : index
      %swap3A_94 = tpu.vector_load %arg10[%swap3A_93] {strides = array<i32>} : memref<128xf32, #tpu.memory_space<vmem>>, vector<16xf32>,
      %swap3A_95 = vector.shape_cast %swap3A_94 : vector<16xf32> to vector<16xf32>
      %swap3A_96 = vector.shape_cast %sub3A_92 : vector<16xf32> to vector<16xf32>
      tpu.vector_store %arg10[%swap3A_93], %swap3A_96 {strides = array<i32>} : memref<128xf32, #tpu.memory_space<vmem>>, vector<16xf32>,
      %get3A_97 = arith.constant 0 : i32
      %get3A_98 = tpu.memref_slice %arg8[%scan3A_16, %get3A_97] : memref<79x128xi32, #tpu.memory_space<vmem>> -> memref<1x128xi32, #tpu.memory_space<vmem>>
      %get3A_99 = tpu.memref_squeeze %get3A_98 : memref<1x128xi32, #tpu.memory_space<vmem>> -> memref<128xi32, #tpu.memory_space<vmem>>
      %get3A_100 = arith.constant 32 : index
      %get3A_101 = tpu.vector_load %get3A_99[%get3A_100] {strides = array<i32>} : memref<128xi32, #tpu.memory_space<vmem>>, vector<16xi32>,
      %get3A_102 = vector.shape_cast %get3A_101 : vector<16xi32> to vector<16xi32>
      %mul3A_103 = arith.constant 8 : i32
      %mul3A_104 = vector.broadcast %mul3A_103 : i32 to vector<16xi32>
      %mul3A_105 = arith.muli %get3A_102, %mul3A_104 : vector<16xi32>
      %add3A_106 = arith.addi %mul3A_105, %convert_element_type3A_87 : vector<16xi32>
      %swap3A_107 = arith.constant 32 : index
      %swap3A_108 = tpu.vector_load %arg11[%swap3A_107] {strides = array<i32>} : memref<128xi32, #tpu.memory_space<vmem>>, vector<16xi32>,
      %swap3A_109 = vector.shape_cast %swap3A_108 : vector<16xi32> to vector<16xi32>
      %swap3A_110 = vector.shape_cast %add3A_106 : vector<16xi32> to vector<16xi32>
      tpu.vector_store %arg11[%swap3A_107], %swap3A_110 {strides = array<i32>} : memref<128xi32, #tpu.memory_space<vmem>>, vector<16xi32>,
      %get3A_111 = arith.constant 48 : index
      %get3A_112 = tpu.vector_load %arg9[%get3A_111] {strides = array<i32>} : memref<128xf32, #tpu.memory_space<vmem>>, vector<16xf32>,
      %get3A_113 = vector.shape_cast %get3A_112 : vector<16xf32> to vector<16xf32>
      %mul3A_114 = arith.constant 2.500000e-01 : f32
      %mul3A_115 = vector.broadcast %mul3A_114 : f32 to vector<16xf32>
      %mul3A_116 = arith.mulf %get3A_113, %mul3A_115 : vector<16xf32>
      %convert_element_type3A_117 = arith.fptosi %mul3A_116 : vector<16xf32> to vector<16xi32>
      %mul3A_118 = arith.constant 4 : i32
      %mul3A_119 = vector.broadcast %mul3A_118 : i32 to vector<16xi32>
      %mul3A_120 = arith.muli %convert_element_type3A_117, %mul3A_119 : vector<16xi32>
      %convert_element_type3A_121 = arith.sitofp %mul3A_120 : vector<16xi32> to vector<16xf32>
      %sub3A_122 = arith.subf %get3A_113, %convert_element_type3A_121 : vector<16xf32>
      %swap3A_123 = arith.constant 48 : index
      %swap3A_124 = tpu.vector_load %arg10[%swap3A_123] {strides = array<i32>} : memref<128xf32, #tpu.memory_space<vmem>>, vector<16xf32>,
      %swap3A_125 = vector.shape_cast %swap3A_124 : vector<16xf32> to vector<16xf32>
      %swap3A_126 = vector.shape_cast %sub3A_122 : vector<16xf32> to vector<16xf32>
      tpu.vector_store %arg10[%swap3A_123], %swap3A_126 {strides = array<i32>} : memref<128xf32, #tpu.memory_space<vmem>>, vector<16xf32>,
      %get3A_127 = arith.constant 0 : i32
      %get3A_128 = tpu.memref_slice %arg8[%scan3A_16, %get3A_127] : memref<79x128xi32, #tpu.memory_space<vmem>> -> memref<1x128xi32, #tpu.memory_space<vmem>>
      %get3A_129 = tpu.memref_squeeze %get3A_128 : memref<1x128xi32, #tpu.memory_space<vmem>> -> memref<128xi32, #tpu.memory_space<vmem>>
      %get3A_130 = arith.constant 48 : index
      %get3A_131 = tpu.vector_load %get3A_129[%get3A_130] {strides = array<i32>} : memref<128xi32, #tpu.memory_space<vmem>>, vector<16xi32>,
      %get3A_132 = vector.shape_cast %get3A_131 : vector<16xi32> to vector<16xi32>
      %mul3A_133 = arith.constant 8 : i32
      %mul3A_134 = vector.broadcast %mul3A_133 : i32 to vector<16xi32>
      %mul3A_135 = arith.muli %get3A_132, %mul3A_134 : vector<16xi32>
      %add3A_136 = arith.addi %mul3A_135, %convert_element_type3A_117 : vector<16xi32>
      %swap3A_137 = arith.constant 48 : index
      %swap3A_138 = tpu.vector_load %arg11[%swap3A_137] {strides = array<i32>} : memref<128xi32, #tpu.memory_space<vmem>>, vector<16xi32>,
      %swap3A_139 = vector.shape_cast %swap3A_138 : vector<16xi32> to vector<16xi32>
      %swap3A_140 = vector.shape_cast %add3A_136 : vector<16xi32> to vector<16xi32>
      tpu.vector_store %arg11[%swap3A_137], %swap3A_140 {strides = array<i32>} : memref<128xi32, #tpu.memory_space<vmem>>, vector<16xi32>,
      %get3A_141 = arith.constant 64 : index
      %get3A_142 = tpu.vector_load %arg9[%get3A_141] {strides = array<i32>} : memref<128xf32, #tpu.memory_space<vmem>>, vector<16xf32>,
      %get3A_143 = vector.shape_cast %get3A_142 : vector<16xf32> to vector<16xf32>
      %mul3A_144 = arith.constant 2.500000e-01 : f32
      %mul3A_145 = vector.broadcast %mul3A_144 : f32 to vector<16xf32>
      %mul3A_146 = arith.mulf %get3A_143, %mul3A_145 : vector<16xf32>
      %convert_element_type3A_147 = arith.fptosi %mul3A_146 : vector<16xf32> to vector<16xi32>
      %mul3A_148 = arith.constant 4 : i32
      %mul3A_149 = vector.broadcast %mul3A_148 : i32 to vector<16xi32>
      %mul3A_150 = arith.muli %convert_element_type3A_147, %mul3A_149 : vector<16xi32>
      %convert_element_type3A_151 = arith.sitofp %mul3A_150 : vector<16xi32> to vector<16xf32>
      %sub3A_152 = arith.subf %get3A_143, %convert_element_type3A_151 : vector<16xf32>
      %swap3A_153 = arith.constant 64 : index
      %swap3A_154 = tpu.vector_load %arg10[%swap3A_153] {strides = array<i32>} : memref<128xf32, #tpu.memory_space<vmem>>, vector<16xf32>,
      %swap3A_155 = vector.shape_cast %swap3A_154 : vector<16xf32> to vector<16xf32>
      %swap3A_156 = vector.shape_cast %sub3A_152 : vector<16xf32> to vector<16xf32>
      tpu.vector_store %arg10[%swap3A_153], %swap3A_156 {strides = array<i32>} : memref<128xf32, #tpu.memory_space<vmem>>, vector<16xf32>,
      %get3A_157 = arith.constant 0 : i32
      %get3A_158 = tpu.memref_slice %arg8[%scan3A_16, %get3A_157] : memref<79x128xi32, #tpu.memory_space<vmem>> -> memref<1x128xi32, #tpu.memory_space<vmem>>
      %get3A_159 = tpu.memref_squeeze %get3A_158 : memref<1x128xi32, #tpu.memory_space<vmem>> -> memref<128xi32, #tpu.memory_space<vmem>>
      %get3A_160 = arith.constant 64 : index
      %get3A_161 = tpu.vector_load %get3A_159[%get3A_160] {strides = array<i32>} : memref<128xi32, #tpu.memory_space<vmem>>, vector<16xi32>,
      %get3A_162 = vector.shape_cast %get3A_161 : vector<16xi32> to vector<16xi32>
      %mul3A_163 = arith.constant 8 : i32
      %mul3A_164 = vector.broadcast %mul3A_163 : i32 to vector<16xi32>
      %mul3A_165 = arith.muli %get3A_162, %mul3A_164 : vector<16xi32>
      %add3A_166 = arith.addi %mul3A_165, %convert_element_type3A_147 : vector<16xi32>
      %swap3A_167 = arith.constant 64 : index
      %swap3A_168 = tpu.vector_load %arg11[%swap3A_167] {strides = array<i32>} : memref<128xi32, #tpu.memory_space<vmem>>, vector<16xi32>,
      %swap3A_169 = vector.shape_cast %swap3A_168 : vector<16xi32> to vector<16xi32>
      %swap3A_170 = vector.shape_cast %add3A_166 : vector<16xi32> to vector<16xi32>
      tpu.vector_store %arg11[%swap3A_167], %swap3A_170 {strides = array<i32>} : memref<128xi32, #tpu.memory_space<vmem>>, vector<16xi32>,
      %get3A_171 = arith.constant 80 : index
      %get3A_172 = tpu.vector_load %arg9[%get3A_171] {strides = array<i32>} : memref<128xf32, #tpu.memory_space<vmem>>, vector<16xf32>,
      %get3A_173 = vector.shape_cast %get3A_172 : vector<16xf32> to vector<16xf32>
      %mul3A_174 = arith.constant 2.500000e-01 : f32
      %mul3A_175 = vector.broadcast %mul3A_174 : f32 to vector<16xf32>
      %mul3A_176 = arith.mulf %get3A_173, %mul3A_175 : vector<16xf32>
      %convert_element_type3A_177 = arith.fptosi %mul3A_176 : vector<16xf32> to vector<16xi32>
      %mul3A_178 = arith.constant 4 : i32
      %mul3A_179 = vector.broadcast %mul3A_178 : i32 to vector<16xi32>
      %mul3A_180 = arith.muli %convert_element_type3A_177, %mul3A_179 : vector<16xi32>
      %convert_element_type3A_181 = arith.sitofp %mul3A_180 : vector<16xi32> to vector<16xf32>
      %sub3A_182 = arith.subf %get3A_173, %convert_element_type3A_181 : vector<16xf32>
      %swap3A_183 = arith.constant 80 : index
      %swap3A_184 = tpu.vector_load %arg10[%swap3A_183] {strides = array<i32>} : memref<128xf32, #tpu.memory_space<vmem>>, vector<16xf32>,
      %swap3A_185 = vector.shape_cast %swap3A_184 : vector<16xf32> to vector<16xf32>
      %swap3A_186 = vector.shape_cast %sub3A_182 : vector<16xf32> to vector<16xf32>
      tpu.vector_store %arg10[%swap3A_183], %swap3A_186 {strides = array<i32>} : memref<128xf32, #tpu.memory_space<vmem>>, vector<16xf32>,
      %get3A_187 = arith.constant 0 : i32
      %get3A_188 = tpu.memref_slice %arg8[%scan3A_16, %get3A_187] : memref<79x128xi32, #tpu.memory_space<vmem>> -> memref<1x128xi32, #tpu.memory_space<vmem>>
      %get3A_189 = tpu.memref_squeeze %get3A_188 : memref<1x128xi32, #tpu.memory_space<vmem>> -> memref<128xi32, #tpu.memory_space<vmem>>
      %get3A_190 = arith.constant 80 : index
      %get3A_191 = tpu.vector_load %get3A_189[%get3A_190] {strides = array<i32>} : memref<128xi32, #tpu.memory_space<vmem>>, vector<16xi32>,
      %get3A_192 = vector.shape_cast %get3A_191 : vector<16xi32> to vector<16xi32>
      %mul3A_193 = arith.constant 8 : i32
      %mul3A_194 = vector.broadcast %mul3A_193 : i32 to vector<16xi32>
      %mul3A_195 = arith.muli %get3A_192, %mul3A_194 : vector<16xi32>
      %add3A_196 = arith.addi %mul3A_195, %convert_element_type3A_177 : vector<16xi32>
      %swap3A_197 = arith.constant 80 : index
      %swap3A_198 = tpu.vector_load %arg11[%swap3A_197] {strides = array<i32>} : memref<128xi32, #tpu.memory_space<vmem>>, vector<16xi32>,
      %swap3A_199 = vector.shape_cast %swap3A_198 : vector<16xi32> to vector<16xi32>
      %swap3A_200 = vector.shape_cast %add3A_196 : vector<16xi32> to vector<16xi32>
      tpu.vector_store %arg11[%swap3A_197], %swap3A_200 {strides = array<i32>} : memref<128xi32, #tpu.memory_space<vmem>>, vector<16xi32>,
      %get3A_201 = arith.constant 96 : index
      %get3A_202 = tpu.vector_load %arg9[%get3A_201] {strides = array<i32>} : memref<128xf32, #tpu.memory_space<vmem>>, vector<16xf32>,
      %get3A_203 = vector.shape_cast %get3A_202 : vector<16xf32> to vector<16xf32>
      %mul3A_204 = arith.constant 2.500000e-01 : f32
      %mul3A_205 = vector.broadcast %mul3A_204 : f32 to vector<16xf32>
      %mul3A_206 = arith.mulf %get3A_203, %mul3A_205 : vector<16xf32>
      %convert_element_type3A_207 = arith.fptosi %mul3A_206 : vector<16xf32> to vector<16xi32>
      %mul3A_208 = arith.constant 4 : i32
      %mul3A_209 = vector.broadcast %mul3A_208 : i32 to vector<16xi32>
      %mul3A_210 = arith.muli %convert_element_type3A_207, %mul3A_209 : vector<16xi32>
      %convert_element_type3A_211 = arith.sitofp %mul3A_210 : vector<16xi32> to vector<16xf32>
      %sub3A_212 = arith.subf %get3A_203, %convert_element_type3A_211 : vector<16xf32>
      %swap3A_213 = arith.constant 96 : index
      %swap3A_214 = tpu.vector_load %arg10[%swap3A_213] {strides = array<i32>} : memref<128xf32, #tpu.memory_space<vmem>>, vector<16xf32>,
      %swap3A_215 = vector.shape_cast %swap3A_214 : vector<16xf32> to vector<16xf32>
      %swap3A_216 = vector.shape_cast %sub3A_212 : vector<16xf32> to vector<16xf32>
      tpu.vector_store %arg10[%swap3A_213], %swap3A_216 {strides = array<i32>} : memref<128xf32, #tpu.memory_space<vmem>>, vector<16xf32>,
      %get3A_217 = arith.constant 0 : i32
      %get3A_218 = tpu.memref_slice %arg8[%scan3A_16, %get3A_217] : memref<79x128xi32, #tpu.memory_space<vmem>> -> memref<1x128xi32, #tpu.memory_space<vmem>>
      %get3A_219 = tpu.memref_squeeze %get3A_218 : memref<1x128xi32, #tpu.memory_space<vmem>> -> memref<128xi32, #tpu.memory_space<vmem>>
      %get3A_220 = arith.constant 96 : index
      %get3A_221 = tpu.vector_load %get3A_219[%get3A_220] {strides = array<i32>} : memref<128xi32, #tpu.memory_space<vmem>>, vector<16xi32>,
      %get3A_222 = vector.shape_cast %get3A_221 : vector<16xi32> to vector<16xi32>
      %mul3A_223 = arith.constant 8 : i32
      %mul3A_224 = vector.broadcast %mul3A_223 : i32 to vector<16xi32>
      %mul3A_225 = arith.muli %get3A_222, %mul3A_224 : vector<16xi32>
      %add3A_226 = arith.addi %mul3A_225, %convert_element_type3A_207 : vector<16xi32>
      %swap3A_227 = arith.constant 96 : index
      %swap3A_228 = tpu.vector_load %arg11[%swap3A_227] {strides = array<i32>} : memref<128xi32, #tpu.memory_space<vmem>>, vector<16xi32>,
      %swap3A_229 = vector.shape_cast %swap3A_228 : vector<16xi32> to vector<16xi32>
      %swap3A_230 = vector.shape_cast %add3A_226 : vector<16xi32> to vector<16xi32>
      tpu.vector_store %arg11[%swap3A_227], %swap3A_230 {strides = array<i32>} : memref<128xi32, #tpu.memory_space<vmem>>, vector<16xi32>,
      %get3A_231 = arith.constant 112 : index
      %get3A_232 = tpu.vector_load %arg9[%get3A_231] {strides = array<i32>} : memref<128xf32, #tpu.memory_space<vmem>>, vector<16xf32>,
      %get3A_233 = vector.shape_cast %get3A_232 : vector<16xf32> to vector<16xf32>
      %mul3A_234 = arith.constant 2.500000e-01 : f32
      %mul3A_235 = vector.broadcast %mul3A_234 : f32 to vector<16xf32>
      %mul3A_236 = arith.mulf %get3A_233, %mul3A_235 : vector<16xf32>
      %convert_element_type3A_237 = arith.fptosi %mul3A_236 : vector<16xf32> to vector<16xi32>
      %mul3A_238 = arith.constant 4 : i32
      %mul3A_239 = vector.broadcast %mul3A_238 : i32 to vector<16xi32>
      %mul3A_240 = arith.muli %convert_element_type3A_237, %mul3A_239 : vector<16xi32>
      %convert_element_type3A_241 = arith.sitofp %mul3A_240 : vector<16xi32> to vector<16xf32>
      %sub3A_242 = arith.subf %get3A_233, %convert_element_type3A_241 : vector<16xf32>
      %swap3A_243 = arith.constant 112 : index
      %swap3A_244 = tpu.vector_load %arg10[%swap3A_243] {strides = array<i32>} : memref<128xf32, #tpu.memory_space<vmem>>, vector<16xf32>,
      %swap3A_245 = vector.shape_cast %swap3A_244 : vector<16xf32> to vector<16xf32>
      %swap3A_246 = vector.shape_cast %sub3A_242 : vector<16xf32> to vector<16xf32>
      tpu.vector_store %arg10[%swap3A_243], %swap3A_246 {strides = array<i32>} : memref<128xf32, #tpu.memory_space<vmem>>, vector<16xf32>,
      %get3A_247 = arith.constant 0 : i32
      %get3A_248 = tpu.memref_slice %arg8[%scan3A_16, %get3A_247] : memref<79x128xi32, #tpu.memory_space<vmem>> -> memref<1x128xi32, #tpu.memory_space<vmem>>
      %get3A_249 = tpu.memref_squeeze %get3A_248 : memref<1x128xi32, #tpu.memory_space<vmem>> -> memref<128xi32, #tpu.memory_space<vmem>>
      %get3A_250 = arith.constant 112 : index
      %get3A_251 = tpu.vector_load %get3A_249[%get3A_250] {strides = array<i32>} : memref<128xi32, #tpu.memory_space<vmem>>, vector<16xi32>,
      %get3A_252 = vector.shape_cast %get3A_251 : vector<16xi32> to vector<16xi32>
      %mul3A_253 = arith.constant 8 : i32
      %mul3A_254 = vector.broadcast %mul3A_253 : i32 to vector<16xi32>
      %mul3A_255 = arith.muli %get3A_252, %mul3A_254 : vector<16xi32>
      %add3A_256 = arith.addi %mul3A_255, %convert_element_type3A_237 : vector<16xi32>
      %swap3A_257 = arith.constant 112 : index
      %swap3A_258 = tpu.vector_load %arg11[%swap3A_257] {strides = array<i32>} : memref<128xi32, #tpu.memory_space<vmem>>, vector<16xi32>,
      %swap3A_259 = vector.shape_cast %swap3A_258 : vector<16xi32> to vector<16xi32>
      %swap3A_260 = vector.shape_cast %add3A_256 : vector<16xi32> to vector<16xi32>
      tpu.vector_store %arg11[%swap3A_257], %swap3A_260 {strides = array<i32>} : memref<128xi32, #tpu.memory_space<vmem>>, vector<16xi32>,
      "tpu.region"() ({
        %run_scoped3A = tpu.sem_alloc : memref<!tpu.dma_semaphore, #tpu.memory_space<semaphore_mem>>
        %dma_start3A_261 = arith.constant 0 : i32
        %dma_start3A_262 = tpu.memref_slice %arg12[%dma_start3A_261] : memref<81920xf32, #tpu.memory_space<vmem_shared>> -> memref<81920xf32, #tpu.memory_space<vmem_shared>>
        tpu.enqueue_indirect_dma source(%arg10 : memref<128xf32, #tpu.memory_space<vmem>>) target(%dma_start3A_262 : memref<81920xf32, #tpu.memory_space<vmem_shared>>) offsets(%arg11 : memref<128xi32, #tpu.memory_space<vmem>>) semaphore(%run_scoped3A : memref<!tpu.dma_semaphore, #tpu.memory_space<semaphore_mem>>) {add = true}
        %dma_wait3A_263 = arith.constant 0 : i32
        %dma_wait3A_264 = tpu.memref_slice %arg12[%dma_wait3A_263] : memref<81920xf32, #tpu.memory_space<vmem_shared>> -> memref<81920xf32, #tpu.memory_space<vmem_shared>>
        tpu.wait_indirect_dma semaphore(%run_scoped3A : memref<!tpu.dma_semaphore, #tpu.memory_space<semaphore_mem>>) src(%arg10 : memref<128xf32, #tpu.memory_space<vmem>>) dst(%dma_wait3A_264 : memref<81920xf32, #tpu.memory_space<vmem_shared>>)
        tpu.yield
      }) : () -> ()
    }
    %scan3A_9 = arith.constant 79 : i32
    %barrier3A_10 = arith.constant 0 : index
    tpu.barrier barrier_id(%barrier3A_10)
    %mul3A_11 = arith.constant 10240 : i32
    %mul3A_12 = arith.muli %arg0, %mul3A_11 : i32
    %mul3A_13 = arith.constant 8 : i32
    %mul3A_14 = arith.muli %mul3A_12, %mul3A_13 : i32
    %add3A_15 = arith.addi %mul3A_14, %mul3A_4 : i32
    "tpu.region"() ({
      %run_scoped3A = tpu.sem_alloc : memref<!tpu.dma_semaphore, #tpu.memory_space<semaphore_mem>>
      %dma_start3A = tpu.memref_slice %arg6[%add3A_15] : memref<163840xf32, #tpu.memory_space<hbm>> -> memref<5120xf32, #tpu.memory_space<hbm>>
      %dma_start3A_16 = tpu.memref_slice %arg12[%mul3A_4] : memref<81920xf32, #tpu.memory_space<vmem_shared>> -> memref<5120xf32, #tpu.memory_space<vmem_shared>>
      tpu.enqueue_dma source(%dma_start3A_16 : memref<5120xf32, #tpu.memory_space<vmem_shared>>) target(%dma_start3A : memref<5120xf32, #tpu.memory_space<hbm>>) target_semaphore(%run_scoped3A : memref<!tpu.dma_semaphore, #tpu.memory_space<semaphore_mem>>)
      %dma_wait3A = tpu.memref_slice %arg6[%add3A_15] : memref<163840xf32, #tpu.memory_space<hbm>> -> memref<5120xf32, #tpu.memory_space<hbm>>
      %dma_wait3A_17 = tpu.memref_slice %arg12[%mul3A_4] : memref<81920xf32, #tpu.memory_space<vmem_shared>> -> memref<5120xf32, #tpu.memory_space<vmem_shared>>
      tpu.wait_dma2 semaphore(%run_scoped3A : memref<!tpu.dma_semaphore, #tpu.memory_space<semaphore_mem>>) src(%dma_wait3A_17 : memref<5120xf32, #tpu.memory_space<vmem_shared>>) dst(%dma_wait3A : memref<5120xf32, #tpu.memory_space<hbm>>)
      tpu.yield
    }) : () -> ()
    return
  }
}

#map = affine_map<(d0, d1) -> (0, 0)>
#map1 = affine_map<(d0, d1) -> (0, 0, 0)>
module attributes {stable_mosaic.version = 14 : i64} {
  func.func @_agg_kernel(%arg0: i32, %arg1: i32, %arg2: memref<10000x128xf32, #tpu.memory_space<hbm>>, %arg3: memref<32x79x128xi32, #tpu.memory_space<hbm>>, %arg4: memref<32x79x128xi32, #tpu.memory_space<hbm>>, %arg5: memref<10240x128xf32, #tpu.memory_space<hbm>>, %arg6: memref<20480x128xf32, #tpu.memory_space<hbm>>, %arg7: memref<79x128xi32, #tpu.memory_space<vmem>>, %arg8: memref<79x128xi32, #tpu.memory_space<vmem>>, %arg9: memref<128x128xf32, #tpu.memory_space<vmem>>, %arg10: memref<10240x128xf32, #tpu.memory_space<vmem_shared>>, %arg11: memref<!tpu.dma_semaphore, #tpu.memory_space<semaphore_mem>>) attributes {dimension_semantics = [#tpu.dimension_semantics<core_parallel>, #tpu.dimension_semantics<subcore_parallel>], iteration_bounds = array<i64: 2, 16>, scalar_prefetch = 0 : i64, scratch_operands = 5 : i64, tpu.core_type = #tpu.core_type<sc_vector_subcore>, window_params = [{transform_indices = #map}, {transform_indices = #map1}, {transform_indices = #map1}, {transform_indices = #map}, {transform_indices = #map}]} {
    %mul3A = arith.constant 16 : i32
    %mul3A_0 = arith.muli %arg0, %mul3A : i32
    %add3A = arith.addi %mul3A_0, %arg1 : i32
    %mul3A_1 = arith.constant 640 : i32
    %mul3A_2 = arith.muli %arg1, %mul3A_1 : i32
    "tpu.region"() ({
      %run_scoped3A = tpu.sem_alloc : memref<!tpu.dma_semaphore, #tpu.memory_space<semaphore_mem>>
      %dma_start3A = arith.constant 0 : i32
      %dma_start3A_12 = tpu.memref_slice %arg10[%mul3A_2, %dma_start3A] : memref<10240x128xf32, #tpu.memory_space<vmem_shared>> -> memref<640x128xf32, #tpu.memory_space<vmem_shared>>
      %dma_start3A_13 = arith.constant 0 : i32
      %dma_start3A_14 = tpu.memref_slice %arg5[%mul3A_2, %dma_start3A_13] : memref<10240x128xf32, #tpu.memory_space<hbm>> -> memref<640x128xf32, #tpu.memory_space<hbm>>
      tpu.enqueue_dma source(%dma_start3A_14 : memref<640x128xf32, #tpu.memory_space<hbm>>) target(%dma_start3A_12 : memref<640x128xf32, #tpu.memory_space<vmem_shared>>) target_semaphore(%run_scoped3A : memref<!tpu.dma_semaphore, #tpu.memory_space<semaphore_mem>>)
      %dma_wait3A = arith.constant 0 : i32
      %dma_wait3A_15 = tpu.memref_slice %arg10[%mul3A_2, %dma_wait3A] : memref<10240x128xf32, #tpu.memory_space<vmem_shared>> -> memref<640x128xf32, #tpu.memory_space<vmem_shared>>
      %dma_wait3A_16 = arith.constant 0 : i32
      %dma_wait3A_17 = tpu.memref_slice %arg5[%mul3A_2, %dma_wait3A_16] : memref<10240x128xf32, #tpu.memory_space<hbm>> -> memref<640x128xf32, #tpu.memory_space<hbm>>
      tpu.wait_dma2 semaphore(%run_scoped3A : memref<!tpu.dma_semaphore, #tpu.memory_space<semaphore_mem>>) src(%dma_wait3A_17 : memref<640x128xf32, #tpu.memory_space<hbm>>) dst(%dma_wait3A_15 : memref<640x128xf32, #tpu.memory_space<vmem_shared>>)
      tpu.yield
    }) : () -> ()
    "tpu.region"() ({
      %run_scoped3A = tpu.sem_alloc : memref<!tpu.dma_semaphore, #tpu.memory_space<semaphore_mem>>
      %dma_start3A = arith.constant 0 : i32
      %dma_start3A_12 = arith.constant 0 : i32
      %dma_start3A_13 = tpu.memref_slice %arg3[%add3A, %dma_start3A, %dma_start3A_12] : memref<32x79x128xi32, #tpu.memory_space<hbm>> -> memref<1x79x128xi32, #tpu.memory_space<hbm>>
      %dma_start3A_14 = tpu.memref_squeeze %dma_start3A_13 : memref<1x79x128xi32, #tpu.memory_space<hbm>> -> memref<79x128xi32, #tpu.memory_space<hbm>>
      %dma_start3A_15 = arith.constant 0 : i32
      %dma_start3A_16 = arith.constant 0 : i32
      %dma_start3A_17 = tpu.memref_slice %arg3[%add3A, %dma_start3A_15, %dma_start3A_16] : memref<32x79x128xi32, #tpu.memory_space<hbm>> -> memref<1x79x128xi32, #tpu.memory_space<hbm>>
      %dma_start3A_18 = tpu.memref_squeeze %dma_start3A_17 : memref<1x79x128xi32, #tpu.memory_space<hbm>> -> memref<79x128xi32, #tpu.memory_space<hbm>>
      tpu.enqueue_dma source(%dma_start3A_18 : memref<79x128xi32, #tpu.memory_space<hbm>>) target(%arg7 : memref<79x128xi32, #tpu.memory_space<vmem>>) target_semaphore(%run_scoped3A : memref<!tpu.dma_semaphore, #tpu.memory_space<semaphore_mem>>)
      %dma_wait3A = arith.constant 0 : i32
      %dma_wait3A_19 = arith.constant 0 : i32
      %dma_wait3A_20 = tpu.memref_slice %arg3[%add3A, %dma_wait3A, %dma_wait3A_19] : memref<32x79x128xi32, #tpu.memory_space<hbm>> -> memref<1x79x128xi32, #tpu.memory_space<hbm>>
      %dma_wait3A_21 = tpu.memref_squeeze %dma_wait3A_20 : memref<1x79x128xi32, #tpu.memory_space<hbm>> -> memref<79x128xi32, #tpu.memory_space<hbm>>
      %dma_wait3A_22 = arith.constant 0 : i32
      %dma_wait3A_23 = arith.constant 0 : i32
      %dma_wait3A_24 = tpu.memref_slice %arg3[%add3A, %dma_wait3A_22, %dma_wait3A_23] : memref<32x79x128xi32, #tpu.memory_space<hbm>> -> memref<1x79x128xi32, #tpu.memory_space<hbm>>
      %dma_wait3A_25 = tpu.memref_squeeze %dma_wait3A_24 : memref<1x79x128xi32, #tpu.memory_space<hbm>> -> memref<79x128xi32, #tpu.memory_space<hbm>>
      tpu.wait_dma2 semaphore(%run_scoped3A : memref<!tpu.dma_semaphore, #tpu.memory_space<semaphore_mem>>) src(%dma_wait3A_25 : memref<79x128xi32, #tpu.memory_space<hbm>>) dst(%arg7 : memref<79x128xi32, #tpu.memory_space<vmem>>)
      tpu.yield
    }) : () -> ()
    "tpu.region"() ({
      %run_scoped3A = tpu.sem_alloc : memref<!tpu.dma_semaphore, #tpu.memory_space<semaphore_mem>>
      %dma_start3A = arith.constant 0 : i32
      %dma_start3A_12 = arith.constant 0 : i32
      %dma_start3A_13 = tpu.memref_slice %arg4[%add3A, %dma_start3A, %dma_start3A_12] : memref<32x79x128xi32, #tpu.memory_space<hbm>> -> memref<1x79x128xi32, #tpu.memory_space<hbm>>
      %dma_start3A_14 = tpu.memref_squeeze %dma_start3A_13 : memref<1x79x128xi32, #tpu.memory_space<hbm>> -> memref<79x128xi32, #tpu.memory_space<hbm>>
      %dma_start3A_15 = arith.constant 0 : i32
      %dma_start3A_16 = arith.constant 0 : i32
      %dma_start3A_17 = tpu.memref_slice %arg4[%add3A, %dma_start3A_15, %dma_start3A_16] : memref<32x79x128xi32, #tpu.memory_space<hbm>> -> memref<1x79x128xi32, #tpu.memory_space<hbm>>
      %dma_start3A_18 = tpu.memref_squeeze %dma_start3A_17 : memref<1x79x128xi32, #tpu.memory_space<hbm>> -> memref<79x128xi32, #tpu.memory_space<hbm>>
      tpu.enqueue_dma source(%dma_start3A_18 : memref<79x128xi32, #tpu.memory_space<hbm>>) target(%arg8 : memref<79x128xi32, #tpu.memory_space<vmem>>) target_semaphore(%run_scoped3A : memref<!tpu.dma_semaphore, #tpu.memory_space<semaphore_mem>>)
      %dma_wait3A = arith.constant 0 : i32
      %dma_wait3A_19 = arith.constant 0 : i32
      %dma_wait3A_20 = tpu.memref_slice %arg4[%add3A, %dma_wait3A, %dma_wait3A_19] : memref<32x79x128xi32, #tpu.memory_space<hbm>> -> memref<1x79x128xi32, #tpu.memory_space<hbm>>
      %dma_wait3A_21 = tpu.memref_squeeze %dma_wait3A_20 : memref<1x79x128xi32, #tpu.memory_space<hbm>> -> memref<79x128xi32, #tpu.memory_space<hbm>>
      %dma_wait3A_22 = arith.constant 0 : i32
      %dma_wait3A_23 = arith.constant 0 : i32
      %dma_wait3A_24 = tpu.memref_slice %arg4[%add3A, %dma_wait3A_22, %dma_wait3A_23] : memref<32x79x128xi32, #tpu.memory_space<hbm>> -> memref<1x79x128xi32, #tpu.memory_space<hbm>>
      %dma_wait3A_25 = tpu.memref_squeeze %dma_wait3A_24 : memref<1x79x128xi32, #tpu.memory_space<hbm>> -> memref<79x128xi32, #tpu.memory_space<hbm>>
      tpu.wait_dma2 semaphore(%run_scoped3A : memref<!tpu.dma_semaphore, #tpu.memory_space<semaphore_mem>>) src(%dma_wait3A_25 : memref<79x128xi32, #tpu.memory_space<hbm>>) dst(%arg8 : memref<79x128xi32, #tpu.memory_space<vmem>>)
      tpu.yield
    }) : () -> ()
    %barrier3A = arith.constant 0 : index
    tpu.barrier barrier_id(%barrier3A)
    %scan3A = arith.constant 0 : i32
    %scan3A_3 = arith.constant 0 : i32
    %scan3A_4 = arith.constant 79 : i32
    %scan3A_5 = arith.addi %scan3A_3, %scan3A_4 : i32
    %scan3A_6 = arith.constant 1 : i32
    scf.for %scan3A_12 = %scan3A_3 to %scan3A_5 step %scan3A_6  : i32 {
      %dma_start3A = arith.constant 0 : i32
      %dma_start3A_13 = tpu.memref_slice %arg7[%scan3A_12, %dma_start3A] : memref<79x128xi32, #tpu.memory_space<vmem>> -> memref<1x128xi32, #tpu.memory_space<vmem>>
      %dma_start3A_14 = tpu.memref_squeeze %dma_start3A_13 : memref<1x128xi32, #tpu.memory_space<vmem>> -> memref<128xi32, #tpu.memory_space<vmem>>
      %dma_start3A_15 = arith.constant 0 : i32
      %dma_start3A_16 = arith.constant 0 : i32
      %dma_start3A_17 = tpu.memref_slice %arg2[%dma_start3A_15, %dma_start3A_16] : memref<10000x128xf32, #tpu.memory_space<hbm>> -> memref<10000x128xf32, #tpu.memory_space<hbm>>
      tpu.enqueue_indirect_dma source(%dma_start3A_17 : memref<10000x128xf32, #tpu.memory_space<hbm>>) target(%arg9 : memref<128x128xf32, #tpu.memory_space<vmem>>) offsets(%dma_start3A_14 : memref<128xi32, #tpu.memory_space<vmem>>) semaphore(%arg11 : memref<!tpu.dma_semaphore, #tpu.memory_space<semaphore_mem>>)
      %dma_wait3A = arith.constant 0 : i32
      %dma_wait3A_18 = tpu.memref_slice %arg7[%scan3A_12, %dma_wait3A] : memref<79x128xi32, #tpu.memory_space<vmem>> -> memref<1x128xi32, #tpu.memory_space<vmem>>
      %dma_wait3A_19 = tpu.memref_squeeze %dma_wait3A_18 : memref<1x128xi32, #tpu.memory_space<vmem>> -> memref<128xi32, #tpu.memory_space<vmem>>
      %dma_wait3A_20 = arith.constant 0 : i32
      %dma_wait3A_21 = arith.constant 0 : i32
      %dma_wait3A_22 = tpu.memref_slice %arg2[%dma_wait3A_20, %dma_wait3A_21] : memref<10000x128xf32, #tpu.memory_space<hbm>> -> memref<10000x128xf32, #tpu.memory_space<hbm>>
      tpu.wait_indirect_dma semaphore(%arg11 : memref<!tpu.dma_semaphore, #tpu.memory_space<semaphore_mem>>) src(%dma_wait3A_22 : memref<10000x128xf32, #tpu.memory_space<hbm>>) dst(%arg9 : memref<128x128xf32, #tpu.memory_space<vmem>>)
      "tpu.region"() ({
        %run_scoped3A = tpu.sem_alloc : memref<!tpu.dma_semaphore, #tpu.memory_space<semaphore_mem>>
        %dma_start3A_23 = arith.constant 0 : i32
        %dma_start3A_24 = tpu.memref_slice %arg8[%scan3A_12, %dma_start3A_23] : memref<79x128xi32, #tpu.memory_space<vmem>> -> memref<1x128xi32, #tpu.memory_space<vmem>>
        %dma_start3A_25 = tpu.memref_squeeze %dma_start3A_24 : memref<1x128xi32, #tpu.memory_space<vmem>> -> memref<128xi32, #tpu.memory_space<vmem>>
        %dma_start3A_26 = arith.constant 0 : i32
        %dma_start3A_27 = arith.constant 0 : i32
        %dma_start3A_28 = tpu.memref_slice %arg10[%dma_start3A_26, %dma_start3A_27] : memref<10240x128xf32, #tpu.memory_space<vmem_shared>> -> memref<10240x128xf32, #tpu.memory_space<vmem_shared>>
        tpu.enqueue_indirect_dma source(%arg9 : memref<128x128xf32, #tpu.memory_space<vmem>>) target(%dma_start3A_28 : memref<10240x128xf32, #tpu.memory_space<vmem_shared>>) offsets(%dma_start3A_25 : memref<128xi32, #tpu.memory_space<vmem>>) semaphore(%run_scoped3A : memref<!tpu.dma_semaphore, #tpu.memory_space<semaphore_mem>>) {add = true}
        %dma_wait3A_29 = arith.constant 0 : i32
        %dma_wait3A_30 = tpu.memref_slice %arg8[%scan3A_12, %dma_wait3A_29] : memref<79x128xi32, #tpu.memory_space<vmem>> -> memref<1x128xi32, #tpu.memory_space<vmem>>
        %dma_wait3A_31 = tpu.memref_squeeze %dma_wait3A_30 : memref<1x128xi32, #tpu.memory_space<vmem>> -> memref<128xi32, #tpu.memory_space<vmem>>
        %dma_wait3A_32 = arith.constant 0 : i32
        %dma_wait3A_33 = arith.constant 0 : i32
        %dma_wait3A_34 = tpu.memref_slice %arg10[%dma_wait3A_32, %dma_wait3A_33] : memref<10240x128xf32, #tpu.memory_space<vmem_shared>> -> memref<10240x128xf32, #tpu.memory_space<vmem_shared>>
        tpu.wait_indirect_dma semaphore(%run_scoped3A : memref<!tpu.dma_semaphore, #tpu.memory_space<semaphore_mem>>) src(%arg9 : memref<128x128xf32, #tpu.memory_space<vmem>>) dst(%dma_wait3A_34 : memref<10240x128xf32, #tpu.memory_space<vmem_shared>>)
        tpu.yield
      }) : () -> ()
    }
    %scan3A_7 = arith.constant 79 : i32
    %barrier3A_8 = arith.constant 0 : index
    tpu.barrier barrier_id(%barrier3A_8)
    %mul3A_9 = arith.constant 10240 : i32
    %mul3A_10 = arith.muli %arg0, %mul3A_9 : i32
    %add3A_11 = arith.addi %mul3A_10, %mul3A_2 : i32
    "tpu.region"() ({
      %run_scoped3A = tpu.sem_alloc : memref<!tpu.dma_semaphore, #tpu.memory_space<semaphore_mem>>
      %dma_start3A = arith.constant 0 : i32
      %dma_start3A_12 = tpu.memref_slice %arg6[%add3A_11, %dma_start3A] : memref<20480x128xf32, #tpu.memory_space<hbm>> -> memref<640x128xf32, #tpu.memory_space<hbm>>
      %dma_start3A_13 = arith.constant 0 : i32
      %dma_start3A_14 = tpu.memref_slice %arg10[%mul3A_2, %dma_start3A_13] : memref<10240x128xf32, #tpu.memory_space<vmem_shared>> -> memref<640x128xf32, #tpu.memory_space<vmem_shared>>
      tpu.enqueue_dma source(%dma_start3A_14 : memref<640x128xf32, #tpu.memory_space<vmem_shared>>) target(%dma_start3A_12 : memref<640x128xf32, #tpu.memory_space<hbm>>) target_semaphore(%run_scoped3A : memref<!tpu.dma_semaphore, #tpu.memory_space<semaphore_mem>>)
      %dma_wait3A = arith.constant 0 : i32
      %dma_wait3A_15 = tpu.memref_slice %arg6[%add3A_11, %dma_wait3A] : memref<20480x128xf32, #tpu.memory_space<hbm>> -> memref<640x128xf32, #tpu.memory_space<hbm>>
      %dma_wait3A_16 = arith.constant 0 : i32
      %dma_wait3A_17 = tpu.memref_slice %arg10[%mul3A_2, %dma_wait3A_16] : memref<10240x128xf32, #tpu.memory_space<vmem_shared>> -> memref<640x128xf32, #tpu.memory_space<vmem_shared>>
      tpu.wait_dma2 semaphore(%run_scoped3A : memref<!tpu.dma_semaphore, #tpu.memory_space<semaphore_mem>>) src(%dma_wait3A_17 : memref<640x128xf32, #tpu.memory_space<vmem_shared>>) dst(%dma_wait3A_15 : memref<640x128xf32, #tpu.memory_space<hbm>>)
      tpu.yield
    }) : () -> ()
    return
  }
}

#map = affine_map<(d0, d1) -> (0, 0, 0)>
#map1 = affine_map<(d0, d1) -> (0)>
module attributes {stable_mosaic.version = 14 : i64} {
  func.func @_deg_kernel(%arg0: i32, %arg1: i32, %arg2: memref<32x79x128xi32, #tpu.memory_space<hbm>>, %arg3: memref<128xf32, #tpu.memory_space<hbm>>, %arg4: memref<10240xf32, #tpu.memory_space<hbm>>, %arg5: memref<20480xf32, #tpu.memory_space<hbm>>, %arg6: memref<79x128xi32, #tpu.memory_space<vmem>>, %arg7: memref<128xf32, #tpu.memory_space<vmem>>, %arg8: memref<10240xf32, #tpu.memory_space<vmem_shared>>) attributes {dimension_semantics = [#tpu.dimension_semantics<core_parallel>, #tpu.dimension_semantics<subcore_parallel>], iteration_bounds = array<i64: 2, 16>, scalar_prefetch = 0 : i64, scratch_operands = 3 : i64, tpu.core_type = #tpu.core_type<sc_vector_subcore>, window_params = [{transform_indices = #map}, {transform_indices = #map1}, {transform_indices = #map1}, {transform_indices = #map1}]} {
    %mul3A = arith.constant 16 : i32
    %mul3A_0 = arith.muli %arg0, %mul3A : i32
    %add3A = arith.addi %mul3A_0, %arg1 : i32
    %mul3A_1 = arith.constant 640 : i32
    %mul3A_2 = arith.muli %arg1, %mul3A_1 : i32
    "tpu.region"() ({
      %run_scoped3A = tpu.sem_alloc : memref<!tpu.dma_semaphore, #tpu.memory_space<semaphore_mem>>
      %dma_start3A = tpu.memref_slice %arg8[%mul3A_2] : memref<10240xf32, #tpu.memory_space<vmem_shared>> -> memref<640xf32, #tpu.memory_space<vmem_shared>>
      %dma_start3A_12 = tpu.memref_slice %arg4[%mul3A_2] : memref<10240xf32, #tpu.memory_space<hbm>> -> memref<640xf32, #tpu.memory_space<hbm>>
      tpu.enqueue_dma source(%dma_start3A_12 : memref<640xf32, #tpu.memory_space<hbm>>) target(%dma_start3A : memref<640xf32, #tpu.memory_space<vmem_shared>>) target_semaphore(%run_scoped3A : memref<!tpu.dma_semaphore, #tpu.memory_space<semaphore_mem>>)
      %dma_wait3A = tpu.memref_slice %arg8[%mul3A_2] : memref<10240xf32, #tpu.memory_space<vmem_shared>> -> memref<640xf32, #tpu.memory_space<vmem_shared>>
      %dma_wait3A_13 = tpu.memref_slice %arg4[%mul3A_2] : memref<10240xf32, #tpu.memory_space<hbm>> -> memref<640xf32, #tpu.memory_space<hbm>>
      tpu.wait_dma2 semaphore(%run_scoped3A : memref<!tpu.dma_semaphore, #tpu.memory_space<semaphore_mem>>) src(%dma_wait3A_13 : memref<640xf32, #tpu.memory_space<hbm>>) dst(%dma_wait3A : memref<640xf32, #tpu.memory_space<vmem_shared>>)
      tpu.yield
    }) : () -> ()
    "tpu.region"() ({
      %run_scoped3A = tpu.sem_alloc : memref<!tpu.dma_semaphore, #tpu.memory_space<semaphore_mem>>
      tpu.enqueue_dma source(%arg3 : memref<128xf32, #tpu.memory_space<hbm>>) target(%arg7 : memref<128xf32, #tpu.memory_space<vmem>>) target_semaphore(%run_scoped3A : memref<!tpu.dma_semaphore, #tpu.memory_space<semaphore_mem>>)
      tpu.wait_dma2 semaphore(%run_scoped3A : memref<!tpu.dma_semaphore, #tpu.memory_space<semaphore_mem>>) src(%arg3 : memref<128xf32, #tpu.memory_space<hbm>>) dst(%arg7 : memref<128xf32, #tpu.memory_space<vmem>>)
      tpu.yield
    }) : () -> ()
    "tpu.region"() ({
      %run_scoped3A = tpu.sem_alloc : memref<!tpu.dma_semaphore, #tpu.memory_space<semaphore_mem>>
      %dma_start3A = arith.constant 0 : i32
      %dma_start3A_12 = arith.constant 0 : i32
      %dma_start3A_13 = tpu.memref_slice %arg2[%add3A, %dma_start3A, %dma_start3A_12] : memref<32x79x128xi32, #tpu.memory_space<hbm>> -> memref<1x79x128xi32, #tpu.memory_space<hbm>>
      %dma_start3A_14 = tpu.memref_squeeze %dma_start3A_13 : memref<1x79x128xi32, #tpu.memory_space<hbm>> -> memref<79x128xi32, #tpu.memory_space<hbm>>
      %dma_start3A_15 = arith.constant 0 : i32
      %dma_start3A_16 = arith.constant 0 : i32
      %dma_start3A_17 = tpu.memref_slice %arg2[%add3A, %dma_start3A_15, %dma_start3A_16] : memref<32x79x128xi32, #tpu.memory_space<hbm>> -> memref<1x79x128xi32, #tpu.memory_space<hbm>>
      %dma_start3A_18 = tpu.memref_squeeze %dma_start3A_17 : memref<1x79x128xi32, #tpu.memory_space<hbm>> -> memref<79x128xi32, #tpu.memory_space<hbm>>
      tpu.enqueue_dma source(%dma_start3A_18 : memref<79x128xi32, #tpu.memory_space<hbm>>) target(%arg6 : memref<79x128xi32, #tpu.memory_space<vmem>>) target_semaphore(%run_scoped3A : memref<!tpu.dma_semaphore, #tpu.memory_space<semaphore_mem>>)
      %dma_wait3A = arith.constant 0 : i32
      %dma_wait3A_19 = arith.constant 0 : i32
      %dma_wait3A_20 = tpu.memref_slice %arg2[%add3A, %dma_wait3A, %dma_wait3A_19] : memref<32x79x128xi32, #tpu.memory_space<hbm>> -> memref<1x79x128xi32, #tpu.memory_space<hbm>>
      %dma_wait3A_21 = tpu.memref_squeeze %dma_wait3A_20 : memref<1x79x128xi32, #tpu.memory_space<hbm>> -> memref<79x128xi32, #tpu.memory_space<hbm>>
      %dma_wait3A_22 = arith.constant 0 : i32
      %dma_wait3A_23 = arith.constant 0 : i32
      %dma_wait3A_24 = tpu.memref_slice %arg2[%add3A, %dma_wait3A_22, %dma_wait3A_23] : memref<32x79x128xi32, #tpu.memory_space<hbm>> -> memref<1x79x128xi32, #tpu.memory_space<hbm>>
      %dma_wait3A_25 = tpu.memref_squeeze %dma_wait3A_24 : memref<1x79x128xi32, #tpu.memory_space<hbm>> -> memref<79x128xi32, #tpu.memory_space<hbm>>
      tpu.wait_dma2 semaphore(%run_scoped3A : memref<!tpu.dma_semaphore, #tpu.memory_space<semaphore_mem>>) src(%dma_wait3A_25 : memref<79x128xi32, #tpu.memory_space<hbm>>) dst(%arg6 : memref<79x128xi32, #tpu.memory_space<vmem>>)
      tpu.yield
    }) : () -> ()
    %barrier3A = arith.constant 0 : index
    tpu.barrier barrier_id(%barrier3A)
    %scan3A = arith.constant 0 : i32
    %scan3A_3 = arith.constant 0 : i32
    %scan3A_4 = arith.constant 79 : i32
    %scan3A_5 = arith.addi %scan3A_3, %scan3A_4 : i32
    %scan3A_6 = arith.constant 1 : i32
    scf.for %scan3A_12 = %scan3A_3 to %scan3A_5 step %scan3A_6  : i32 {
      "tpu.region"() ({
        %run_scoped3A = tpu.sem_alloc : memref<!tpu.dma_semaphore, #tpu.memory_space<semaphore_mem>>
        %dma_start3A = arith.constant 0 : i32
        %dma_start3A_13 = tpu.memref_slice %arg6[%scan3A_12, %dma_start3A] : memref<79x128xi32, #tpu.memory_space<vmem>> -> memref<1x128xi32, #tpu.memory_space<vmem>>
        %dma_start3A_14 = tpu.memref_squeeze %dma_start3A_13 : memref<1x128xi32, #tpu.memory_space<vmem>> -> memref<128xi32, #tpu.memory_space<vmem>>
        %dma_start3A_15 = arith.constant 0 : i32
        %dma_start3A_16 = tpu.memref_slice %arg8[%dma_start3A_15] : memref<10240xf32, #tpu.memory_space<vmem_shared>> -> memref<10240xf32, #tpu.memory_space<vmem_shared>>
        tpu.enqueue_indirect_dma source(%arg7 : memref<128xf32, #tpu.memory_space<vmem>>) target(%dma_start3A_16 : memref<10240xf32, #tpu.memory_space<vmem_shared>>) offsets(%dma_start3A_14 : memref<128xi32, #tpu.memory_space<vmem>>) semaphore(%run_scoped3A : memref<!tpu.dma_semaphore, #tpu.memory_space<semaphore_mem>>) {add = true}
        %dma_wait3A = arith.constant 0 : i32
        %dma_wait3A_17 = tpu.memref_slice %arg6[%scan3A_12, %dma_wait3A] : memref<79x128xi32, #tpu.memory_space<vmem>> -> memref<1x128xi32, #tpu.memory_space<vmem>>
        %dma_wait3A_18 = tpu.memref_squeeze %dma_wait3A_17 : memref<1x128xi32, #tpu.memory_space<vmem>> -> memref<128xi32, #tpu.memory_space<vmem>>
        %dma_wait3A_19 = arith.constant 0 : i32
        %dma_wait3A_20 = tpu.memref_slice %arg8[%dma_wait3A_19] : memref<10240xf32, #tpu.memory_space<vmem_shared>> -> memref<10240xf32, #tpu.memory_space<vmem_shared>>
        tpu.wait_indirect_dma semaphore(%run_scoped3A : memref<!tpu.dma_semaphore, #tpu.memory_space<semaphore_mem>>) src(%arg7 : memref<128xf32, #tpu.memory_space<vmem>>) dst(%dma_wait3A_20 : memref<10240xf32, #tpu.memory_space<vmem_shared>>)
        tpu.yield
      }) : () -> ()
    }
    %scan3A_7 = arith.constant 79 : i32
    %barrier3A_8 = arith.constant 0 : index
    tpu.barrier barrier_id(%barrier3A_8)
    %mul3A_9 = arith.constant 10240 : i32
    %mul3A_10 = arith.muli %arg0, %mul3A_9 : i32
    %add3A_11 = arith.addi %mul3A_10, %mul3A_2 : i32
    "tpu.region"() ({
      %run_scoped3A = tpu.sem_alloc : memref<!tpu.dma_semaphore, #tpu.memory_space<semaphore_mem>>
      %dma_start3A = tpu.memref_slice %arg5[%add3A_11] : memref<20480xf32, #tpu.memory_space<hbm>> -> memref<640xf32, #tpu.memory_space<hbm>>
      %dma_start3A_12 = tpu.memref_slice %arg8[%mul3A_2] : memref<10240xf32, #tpu.memory_space<vmem_shared>> -> memref<640xf32, #tpu.memory_space<vmem_shared>>
      tpu.enqueue_dma source(%dma_start3A_12 : memref<640xf32, #tpu.memory_space<vmem_shared>>) target(%dma_start3A : memref<640xf32, #tpu.memory_space<hbm>>) target_semaphore(%run_scoped3A : memref<!tpu.dma_semaphore, #tpu.memory_space<semaphore_mem>>)
      %dma_wait3A = tpu.memref_slice %arg5[%add3A_11] : memref<20480xf32, #tpu.memory_space<hbm>> -> memref<640xf32, #tpu.memory_space<hbm>>
      %dma_wait3A_13 = tpu.memref_slice %arg8[%mul3A_2] : memref<10240xf32, #tpu.memory_space<vmem_shared>> -> memref<640xf32, #tpu.memory_space<vmem_shared>>
      tpu.wait_dma2 semaphore(%run_scoped3A : memref<!tpu.dma_semaphore, #tpu.memory_space<semaphore_mem>>) src(%dma_wait3A_13 : memref<640xf32, #tpu.memory_space<vmem_shared>>) dst(%dma_wait3A : memref<640xf32, #tpu.memory_space<hbm>>)
      tpu.yield
    }) : () -> ()
    return
  }
}

#map = affine_map<(d0, d1) -> (0, 0)>
#map1 = affine_map<(d0, d1) -> (0, 0, 0)>
module attributes {stable_mosaic.version = 14 : i64} {
  func.func @_agg_kernel(%arg0: i32, %arg1: i32, %arg2: memref<10000x128xf32, #tpu.memory_space<hbm>>, %arg3: memref<32x79x128xi32, #tpu.memory_space<hbm>>, %arg4: memref<32x79x128xi32, #tpu.memory_space<hbm>>, %arg5: memref<10240x128xf32, #tpu.memory_space<hbm>>, %arg6: memref<20480x128xf32, #tpu.memory_space<hbm>>, %arg7: memref<79x128xi32, #tpu.memory_space<vmem>>, %arg8: memref<79x128xi32, #tpu.memory_space<vmem>>, %arg9: memref<128x128xf32, #tpu.memory_space<vmem>>, %arg10: memref<10240x128xf32, #tpu.memory_space<vmem_shared>>, %arg11: memref<!tpu.dma_semaphore, #tpu.memory_space<semaphore_mem>>) attributes {dimension_semantics = [#tpu.dimension_semantics<core_parallel>, #tpu.dimension_semantics<subcore_parallel>], iteration_bounds = array<i64: 2, 16>, scalar_prefetch = 0 : i64, scratch_operands = 5 : i64, tpu.core_type = #tpu.core_type<sc_vector_subcore>, window_params = [{transform_indices = #map}, {transform_indices = #map1}, {transform_indices = #map1}, {transform_indices = #map}, {transform_indices = #map}]} {
    %mul3A = arith.constant 16 : i32
    %mul3A_0 = arith.muli %arg0, %mul3A : i32
    %add3A = arith.addi %mul3A_0, %arg1 : i32
    %mul3A_1 = arith.constant 640 : i32
    %mul3A_2 = arith.muli %arg1, %mul3A_1 : i32
    "tpu.region"() ({
      %run_scoped3A = tpu.sem_alloc : memref<!tpu.dma_semaphore, #tpu.memory_space<semaphore_mem>>
      %dma_start3A = arith.constant 0 : i32
      %dma_start3A_12 = tpu.memref_slice %arg10[%mul3A_2, %dma_start3A] : memref<10240x128xf32, #tpu.memory_space<vmem_shared>> -> memref<640x128xf32, #tpu.memory_space<vmem_shared>>
      %dma_start3A_13 = arith.constant 0 : i32
      %dma_start3A_14 = tpu.memref_slice %arg5[%mul3A_2, %dma_start3A_13] : memref<10240x128xf32, #tpu.memory_space<hbm>> -> memref<640x128xf32, #tpu.memory_space<hbm>>
      tpu.enqueue_dma source(%dma_start3A_14 : memref<640x128xf32, #tpu.memory_space<hbm>>) target(%dma_start3A_12 : memref<640x128xf32, #tpu.memory_space<vmem_shared>>) target_semaphore(%run_scoped3A : memref<!tpu.dma_semaphore, #tpu.memory_space<semaphore_mem>>)
      %dma_wait3A = arith.constant 0 : i32
      %dma_wait3A_15 = tpu.memref_slice %arg10[%mul3A_2, %dma_wait3A] : memref<10240x128xf32, #tpu.memory_space<vmem_shared>> -> memref<640x128xf32, #tpu.memory_space<vmem_shared>>
      %dma_wait3A_16 = arith.constant 0 : i32
      %dma_wait3A_17 = tpu.memref_slice %arg5[%mul3A_2, %dma_wait3A_16] : memref<10240x128xf32, #tpu.memory_space<hbm>> -> memref<640x128xf32, #tpu.memory_space<hbm>>
      tpu.wait_dma2 semaphore(%run_scoped3A : memref<!tpu.dma_semaphore, #tpu.memory_space<semaphore_mem>>) src(%dma_wait3A_17 : memref<640x128xf32, #tpu.memory_space<hbm>>) dst(%dma_wait3A_15 : memref<640x128xf32, #tpu.memory_space<vmem_shared>>)
      tpu.yield
    }) : () -> ()
    "tpu.region"() ({
      %run_scoped3A = tpu.sem_alloc : memref<!tpu.dma_semaphore, #tpu.memory_space<semaphore_mem>>
      %dma_start3A = arith.constant 0 : i32
      %dma_start3A_12 = arith.constant 0 : i32
      %dma_start3A_13 = tpu.memref_slice %arg3[%add3A, %dma_start3A, %dma_start3A_12] : memref<32x79x128xi32, #tpu.memory_space<hbm>> -> memref<1x79x128xi32, #tpu.memory_space<hbm>>
      %dma_start3A_14 = tpu.memref_squeeze %dma_start3A_13 : memref<1x79x128xi32, #tpu.memory_space<hbm>> -> memref<79x128xi32, #tpu.memory_space<hbm>>
      %dma_start3A_15 = arith.constant 0 : i32
      %dma_start3A_16 = arith.constant 0 : i32
      %dma_start3A_17 = tpu.memref_slice %arg3[%add3A, %dma_start3A_15, %dma_start3A_16] : memref<32x79x128xi32, #tpu.memory_space<hbm>> -> memref<1x79x128xi32, #tpu.memory_space<hbm>>
      %dma_start3A_18 = tpu.memref_squeeze %dma_start3A_17 : memref<1x79x128xi32, #tpu.memory_space<hbm>> -> memref<79x128xi32, #tpu.memory_space<hbm>>
      tpu.enqueue_dma source(%dma_start3A_18 : memref<79x128xi32, #tpu.memory_space<hbm>>) target(%arg7 : memref<79x128xi32, #tpu.memory_space<vmem>>) target_semaphore(%run_scoped3A : memref<!tpu.dma_semaphore, #tpu.memory_space<semaphore_mem>>)
      %dma_wait3A = arith.constant 0 : i32
      %dma_wait3A_19 = arith.constant 0 : i32
      %dma_wait3A_20 = tpu.memref_slice %arg3[%add3A, %dma_wait3A, %dma_wait3A_19] : memref<32x79x128xi32, #tpu.memory_space<hbm>> -> memref<1x79x128xi32, #tpu.memory_space<hbm>>
      %dma_wait3A_21 = tpu.memref_squeeze %dma_wait3A_20 : memref<1x79x128xi32, #tpu.memory_space<hbm>> -> memref<79x128xi32, #tpu.memory_space<hbm>>
      %dma_wait3A_22 = arith.constant 0 : i32
      %dma_wait3A_23 = arith.constant 0 : i32
      %dma_wait3A_24 = tpu.memref_slice %arg3[%add3A, %dma_wait3A_22, %dma_wait3A_23] : memref<32x79x128xi32, #tpu.memory_space<hbm>> -> memref<1x79x128xi32, #tpu.memory_space<hbm>>
      %dma_wait3A_25 = tpu.memref_squeeze %dma_wait3A_24 : memref<1x79x128xi32, #tpu.memory_space<hbm>> -> memref<79x128xi32, #tpu.memory_space<hbm>>
      tpu.wait_dma2 semaphore(%run_scoped3A : memref<!tpu.dma_semaphore, #tpu.memory_space<semaphore_mem>>) src(%dma_wait3A_25 : memref<79x128xi32, #tpu.memory_space<hbm>>) dst(%arg7 : memref<79x128xi32, #tpu.memory_space<vmem>>)
      tpu.yield
    }) : () -> ()
    "tpu.region"() ({
      %run_scoped3A = tpu.sem_alloc : memref<!tpu.dma_semaphore, #tpu.memory_space<semaphore_mem>>
      %dma_start3A = arith.constant 0 : i32
      %dma_start3A_12 = arith.constant 0 : i32
      %dma_start3A_13 = tpu.memref_slice %arg4[%add3A, %dma_start3A, %dma_start3A_12] : memref<32x79x128xi32, #tpu.memory_space<hbm>> -> memref<1x79x128xi32, #tpu.memory_space<hbm>>
      %dma_start3A_14 = tpu.memref_squeeze %dma_start3A_13 : memref<1x79x128xi32, #tpu.memory_space<hbm>> -> memref<79x128xi32, #tpu.memory_space<hbm>>
      %dma_start3A_15 = arith.constant 0 : i32
      %dma_start3A_16 = arith.constant 0 : i32
      %dma_start3A_17 = tpu.memref_slice %arg4[%add3A, %dma_start3A_15, %dma_start3A_16] : memref<32x79x128xi32, #tpu.memory_space<hbm>> -> memref<1x79x128xi32, #tpu.memory_space<hbm>>
      %dma_start3A_18 = tpu.memref_squeeze %dma_start3A_17 : memref<1x79x128xi32, #tpu.memory_space<hbm>> -> memref<79x128xi32, #tpu.memory_space<hbm>>
      tpu.enqueue_dma source(%dma_start3A_18 : memref<79x128xi32, #tpu.memory_space<hbm>>) target(%arg8 : memref<79x128xi32, #tpu.memory_space<vmem>>) target_semaphore(%run_scoped3A : memref<!tpu.dma_semaphore, #tpu.memory_space<semaphore_mem>>)
      %dma_wait3A = arith.constant 0 : i32
      %dma_wait3A_19 = arith.constant 0 : i32
      %dma_wait3A_20 = tpu.memref_slice %arg4[%add3A, %dma_wait3A, %dma_wait3A_19] : memref<32x79x128xi32, #tpu.memory_space<hbm>> -> memref<1x79x128xi32, #tpu.memory_space<hbm>>
      %dma_wait3A_21 = tpu.memref_squeeze %dma_wait3A_20 : memref<1x79x128xi32, #tpu.memory_space<hbm>> -> memref<79x128xi32, #tpu.memory_space<hbm>>
      %dma_wait3A_22 = arith.constant 0 : i32
      %dma_wait3A_23 = arith.constant 0 : i32
      %dma_wait3A_24 = tpu.memref_slice %arg4[%add3A, %dma_wait3A_22, %dma_wait3A_23] : memref<32x79x128xi32, #tpu.memory_space<hbm>> -> memref<1x79x128xi32, #tpu.memory_space<hbm>>
      %dma_wait3A_25 = tpu.memref_squeeze %dma_wait3A_24 : memref<1x79x128xi32, #tpu.memory_space<hbm>> -> memref<79x128xi32, #tpu.memory_space<hbm>>
      tpu.wait_dma2 semaphore(%run_scoped3A : memref<!tpu.dma_semaphore, #tpu.memory_space<semaphore_mem>>) src(%dma_wait3A_25 : memref<79x128xi32, #tpu.memory_space<hbm>>) dst(%arg8 : memref<79x128xi32, #tpu.memory_space<vmem>>)
      tpu.yield
    }) : () -> ()
    %barrier3A = arith.constant 0 : index
    tpu.barrier barrier_id(%barrier3A)
    %scan3A = arith.constant 0 : i32
    %scan3A_3 = arith.constant 0 : i32
    %scan3A_4 = arith.constant 79 : i32
    %scan3A_5 = arith.addi %scan3A_3, %scan3A_4 : i32
    %scan3A_6 = arith.constant 1 : i32
    scf.for %scan3A_12 = %scan3A_3 to %scan3A_5 step %scan3A_6  : i32 {
      %dma_start3A = arith.constant 0 : i32
      %dma_start3A_13 = tpu.memref_slice %arg7[%scan3A_12, %dma_start3A] : memref<79x128xi32, #tpu.memory_space<vmem>> -> memref<1x128xi32, #tpu.memory_space<vmem>>
      %dma_start3A_14 = tpu.memref_squeeze %dma_start3A_13 : memref<1x128xi32, #tpu.memory_space<vmem>> -> memref<128xi32, #tpu.memory_space<vmem>>
      %dma_start3A_15 = arith.constant 0 : i32
      %dma_start3A_16 = arith.constant 0 : i32
      %dma_start3A_17 = tpu.memref_slice %arg2[%dma_start3A_15, %dma_start3A_16] : memref<10000x128xf32, #tpu.memory_space<hbm>> -> memref<10000x128xf32, #tpu.memory_space<hbm>>
      tpu.enqueue_indirect_dma source(%dma_start3A_17 : memref<10000x128xf32, #tpu.memory_space<hbm>>) target(%arg9 : memref<128x128xf32, #tpu.memory_space<vmem>>) offsets(%dma_start3A_14 : memref<128xi32, #tpu.memory_space<vmem>>) semaphore(%arg11 : memref<!tpu.dma_semaphore, #tpu.memory_space<semaphore_mem>>)
      %dma_wait3A = arith.constant 0 : i32
      %dma_wait3A_18 = tpu.memref_slice %arg7[%scan3A_12, %dma_wait3A] : memref<79x128xi32, #tpu.memory_space<vmem>> -> memref<1x128xi32, #tpu.memory_space<vmem>>
      %dma_wait3A_19 = tpu.memref_squeeze %dma_wait3A_18 : memref<1x128xi32, #tpu.memory_space<vmem>> -> memref<128xi32, #tpu.memory_space<vmem>>
      %dma_wait3A_20 = arith.constant 0 : i32
      %dma_wait3A_21 = arith.constant 0 : i32
      %dma_wait3A_22 = tpu.memref_slice %arg2[%dma_wait3A_20, %dma_wait3A_21] : memref<10000x128xf32, #tpu.memory_space<hbm>> -> memref<10000x128xf32, #tpu.memory_space<hbm>>
      tpu.wait_indirect_dma semaphore(%arg11 : memref<!tpu.dma_semaphore, #tpu.memory_space<semaphore_mem>>) src(%dma_wait3A_22 : memref<10000x128xf32, #tpu.memory_space<hbm>>) dst(%arg9 : memref<128x128xf32, #tpu.memory_space<vmem>>)
      "tpu.region"() ({
        %run_scoped3A = tpu.sem_alloc : memref<!tpu.dma_semaphore, #tpu.memory_space<semaphore_mem>>
        %dma_start3A_23 = arith.constant 0 : i32
        %dma_start3A_24 = tpu.memref_slice %arg8[%scan3A_12, %dma_start3A_23] : memref<79x128xi32, #tpu.memory_space<vmem>> -> memref<1x128xi32, #tpu.memory_space<vmem>>
        %dma_start3A_25 = tpu.memref_squeeze %dma_start3A_24 : memref<1x128xi32, #tpu.memory_space<vmem>> -> memref<128xi32, #tpu.memory_space<vmem>>
        %dma_start3A_26 = arith.constant 0 : i32
        %dma_start3A_27 = arith.constant 0 : i32
        %dma_start3A_28 = tpu.memref_slice %arg10[%dma_start3A_26, %dma_start3A_27] : memref<10240x128xf32, #tpu.memory_space<vmem_shared>> -> memref<10240x128xf32, #tpu.memory_space<vmem_shared>>
        tpu.enqueue_indirect_dma source(%arg9 : memref<128x128xf32, #tpu.memory_space<vmem>>) target(%dma_start3A_28 : memref<10240x128xf32, #tpu.memory_space<vmem_shared>>) offsets(%dma_start3A_25 : memref<128xi32, #tpu.memory_space<vmem>>) semaphore(%run_scoped3A : memref<!tpu.dma_semaphore, #tpu.memory_space<semaphore_mem>>) {add = true}
        %dma_wait3A_29 = arith.constant 0 : i32
        %dma_wait3A_30 = tpu.memref_slice %arg8[%scan3A_12, %dma_wait3A_29] : memref<79x128xi32, #tpu.memory_space<vmem>> -> memref<1x128xi32, #tpu.memory_space<vmem>>
        %dma_wait3A_31 = tpu.memref_squeeze %dma_wait3A_30 : memref<1x128xi32, #tpu.memory_space<vmem>> -> memref<128xi32, #tpu.memory_space<vmem>>
        %dma_wait3A_32 = arith.constant 0 : i32
        %dma_wait3A_33 = arith.constant 0 : i32
        %dma_wait3A_34 = tpu.memref_slice %arg10[%dma_wait3A_32, %dma_wait3A_33] : memref<10240x128xf32, #tpu.memory_space<vmem_shared>> -> memref<10240x128xf32, #tpu.memory_space<vmem_shared>>
        tpu.wait_indirect_dma semaphore(%run_scoped3A : memref<!tpu.dma_semaphore, #tpu.memory_space<semaphore_mem>>) src(%arg9 : memref<128x128xf32, #tpu.memory_space<vmem>>) dst(%dma_wait3A_34 : memref<10240x128xf32, #tpu.memory_space<vmem_shared>>)
        tpu.yield
      }) : () -> ()
    }
    %scan3A_7 = arith.constant 79 : i32
    %barrier3A_8 = arith.constant 0 : index
    tpu.barrier barrier_id(%barrier3A_8)
    %mul3A_9 = arith.constant 10240 : i32
    %mul3A_10 = arith.muli %arg0, %mul3A_9 : i32
    %add3A_11 = arith.addi %mul3A_10, %mul3A_2 : i32
    "tpu.region"() ({
      %run_scoped3A = tpu.sem_alloc : memref<!tpu.dma_semaphore, #tpu.memory_space<semaphore_mem>>
      %dma_start3A = arith.constant 0 : i32
      %dma_start3A_12 = tpu.memref_slice %arg6[%add3A_11, %dma_start3A] : memref<20480x128xf32, #tpu.memory_space<hbm>> -> memref<640x128xf32, #tpu.memory_space<hbm>>
      %dma_start3A_13 = arith.constant 0 : i32
      %dma_start3A_14 = tpu.memref_slice %arg10[%mul3A_2, %dma_start3A_13] : memref<10240x128xf32, #tpu.memory_space<vmem_shared>> -> memref<640x128xf32, #tpu.memory_space<vmem_shared>>
      tpu.enqueue_dma source(%dma_start3A_14 : memref<640x128xf32, #tpu.memory_space<vmem_shared>>) target(%dma_start3A_12 : memref<640x128xf32, #tpu.memory_space<hbm>>) target_semaphore(%run_scoped3A : memref<!tpu.dma_semaphore, #tpu.memory_space<semaphore_mem>>)
      %dma_wait3A = arith.constant 0 : i32
      %dma_wait3A_15 = tpu.memref_slice %arg6[%add3A_11, %dma_wait3A] : memref<20480x128xf32, #tpu.memory_space<hbm>> -> memref<640x128xf32, #tpu.memory_space<hbm>>
      %dma_wait3A_16 = arith.constant 0 : i32
      %dma_wait3A_17 = tpu.memref_slice %arg10[%mul3A_2, %dma_wait3A_16] : memref<10240x128xf32, #tpu.memory_space<vmem_shared>> -> memref<640x128xf32, #tpu.memory_space<vmem_shared>>
      tpu.wait_dma2 semaphore(%run_scoped3A : memref<!tpu.dma_semaphore, #tpu.memory_space<semaphore_mem>>) src(%dma_wait3A_17 : memref<640x128xf32, #tpu.memory_space<vmem_shared>>) dst(%dma_wait3A_15 : memref<640x128xf32, #tpu.memory_space<hbm>>)
      tpu.yield
    }) : () -> ()
    return
  }
}

module attributes {stable_mosaic.version = 14 : i64} {
  func.func @_dv_body(%arg0: memref<2x10240x1xf32, #tpu.memory_space<vmem>>, %arg1: memref<10000x1xi32, #tpu.memory_space<vmem>>, %arg2: memref<10240x1xf32, #tpu.memory_space<vmem>>) attributes {dimension_semantics = [], scalar_prefetch = 0 : i64, scratch_operands = 0 : i64, tpu.core_type = #tpu.core_type<tc>} {
    %get3A = arith.constant 0 : index
    %get3A_0 = arith.constant 0 : index
    %get3A_1 = arith.constant 0 : index
    %get3A_2 = vector.load %arg0[%get3A, %get3A_0, %get3A_1] : memref<2x10240x1xf32, #tpu.memory_space<vmem>>, vector<2x10240x1xf32>
    %slice3A = vector.extract_strided_slice %get3A_2 {offsets = [0, 0, 0], sizes = [1, 10240, 1], strides = [1, 1, 1]} : vector<2x10240x1xf32> to vector<1x10240x1xf32>
    %squeeze3A = vector.shape_cast %slice3A : vector<1x10240x1xf32> to vector<10240x1xf32>
    %slice3A_3 = vector.extract_strided_slice %get3A_2 {offsets = [1, 0, 0], sizes = [1, 10240, 1], strides = [1, 1, 1]} : vector<2x10240x1xf32> to vector<1x10240x1xf32>
    %squeeze3A_4 = vector.shape_cast %slice3A_3 : vector<1x10240x1xf32> to vector<10240x1xf32>
    %add3A = arith.addf %squeeze3A, %squeeze3A_4 : vector<10240x1xf32>
    %add3A_5 = arith.constant 1.000000e+00 : f32
    %add3A_6 = vector.broadcast %add3A_5 : f32 to vector<10240x1xf32>
    %add3A_7 = arith.addf %add3A, %add3A_6 : vector<10240x1xf32>
    %rsqrt3A = math.rsqrt %add3A_7 : vector<10240x1xf32>
    %slice3A_8 = vector.extract_strided_slice %rsqrt3A {offsets = [0, 0], sizes = [10000, 1], strides = [1, 1]} : vector<10240x1xf32> to vector<10000x1xf32>
    %get3A_9 = arith.constant 0 : index
    %get3A_10 = arith.constant 0 : index
    %get3A_11 = vector.load %arg1[%get3A_9, %get3A_10] : memref<10000x1xi32, #tpu.memory_space<vmem>>, vector<10000x1xi32>
    %convert_element_type3A = arith.sitofp %get3A_11 : vector<10000x1xi32> to vector<10000x1xf32>
    %mul3A = arith.constant 4.000000e+00 : f32
    %mul3A_12 = vector.broadcast %mul3A : f32 to vector<10000x1xf32>
    %mul3A_13 = arith.mulf %convert_element_type3A, %mul3A_12 : vector<10000x1xf32>
    %add3A_14 = arith.addf %mul3A_13, %slice3A_8 : vector<10000x1xf32>
    %swap3A = arith.constant 0 : index
    %swap3A_15 = arith.constant 0 : index
    %swap3A_16 = vector.load %arg2[%swap3A, %swap3A_15] : memref<10240x1xf32, #tpu.memory_space<vmem>>, vector<10000x1xf32>
    tpu.vector_store %arg2[%swap3A, %swap3A_15], %add3A_14 {strides = array<i32>} : memref<10240x1xf32, #tpu.memory_space<vmem>>, vector<10000x1xf32>,
    %broadcast_in_dim3A = arith.constant 0.000000e+00 : f32
    %broadcast_in_dim3A_17 = vector.broadcast %broadcast_in_dim3A : f32 to vector<240x1xf32>
    %swap3A_18 = arith.constant 10000 : index
    %swap3A_19 = arith.constant 0 : index
    %swap3A_20 = vector.load %arg2[%swap3A_18, %swap3A_19] : memref<10240x1xf32, #tpu.memory_space<vmem>>, vector<240x1xf32>
    tpu.vector_store %arg2[%swap3A_18, %swap3A_19], %broadcast_in_dim3A_17 {strides = array<i32>} : memref<10240x1xf32, #tpu.memory_space<vmem>>, vector<240x1xf32>,
    return
  }
}

module attributes {stable_mosaic.version = 14 : i64} {
  func.func @_lay1_body(%arg0: memref<2x10240x8xf32, #tpu.memory_space<vmem>>, %arg1: memref<2x10240x1xf32, #tpu.memory_space<vmem>>, %arg2: memref<10000x1xi32, #tpu.memory_space<vmem>>, %arg3: memref<8x128xf32, #tpu.memory_space<vmem>>, %arg4: memref<128x128xf32, #tpu.memory_space<vmem>>, %arg5: memref<1x128xf32, #tpu.memory_space<vmem>>, %arg6: memref<128x128xf32, #tpu.memory_space<vmem>>, %arg7: memref<10000x128xf32, #tpu.memory_space<vmem>>) attributes {dimension_semantics = [], scalar_prefetch = 0 : i64, scratch_operands = 0 : i64, tpu.core_type = #tpu.core_type<tc>} {
    %get3A = arith.constant 0 : index
    %get3A_0 = arith.constant 0 : index
    %get3A_1 = arith.constant 0 : index
    %get3A_2 = vector.load %arg1[%get3A, %get3A_0, %get3A_1] : memref<2x10240x1xf32, #tpu.memory_space<vmem>>, vector<2x10240x1xf32>
    %slice3A = vector.extract_strided_slice %get3A_2 {offsets = [0, 0, 0], sizes = [1, 10240, 1], strides = [1, 1, 1]} : vector<2x10240x1xf32> to vector<1x10240x1xf32>
    %squeeze3A = vector.shape_cast %slice3A : vector<1x10240x1xf32> to vector<10240x1xf32>
    %slice3A_3 = vector.extract_strided_slice %get3A_2 {offsets = [1, 0, 0], sizes = [1, 10240, 1], strides = [1, 1, 1]} : vector<2x10240x1xf32> to vector<1x10240x1xf32>
    %squeeze3A_4 = vector.shape_cast %slice3A_3 : vector<1x10240x1xf32> to vector<10240x1xf32>
    %add3A = arith.addf %squeeze3A, %squeeze3A_4 : vector<10240x1xf32>
    %add3A_5 = arith.constant 1.000000e+00 : f32
    %add3A_6 = vector.broadcast %add3A_5 : f32 to vector<10240x1xf32>
    %add3A_7 = arith.addf %add3A, %add3A_6 : vector<10240x1xf32>
    %rsqrt3A = math.rsqrt %add3A_7 : vector<10240x1xf32>
    %slice3A_8 = vector.extract_strided_slice %rsqrt3A {offsets = [0, 0], sizes = [10000, 1], strides = [1, 1]} : vector<10240x1xf32> to vector<10000x1xf32>
    %get3A_9 = arith.constant 0 : index
    %get3A_10 = arith.constant 0 : index
    %get3A_11 = vector.load %arg3[%get3A_9, %get3A_10] : memref<8x128xf32, #tpu.memory_space<vmem>>, vector<8x128xf32>
    %get3A_12 = arith.constant 0 : index
    %get3A_13 = arith.constant 0 : index
    %get3A_14 = vector.load %arg4[%get3A_12, %get3A_13] : memref<128x128xf32, #tpu.memory_space<vmem>>, vector<128x128xf32>
    %dot_general3A = arith.constant dense<0.000000e+00> : vector<8x128xf32>
    %dot_general3A_15 = tpu.matmul %get3A_11, %get3A_14, %dot_general3A {dimension_numbers = #tpu.dot_dimension_numbers<[1], [0], [0], [1], [0, 0, 1, 1], [], []>, transpose_lhs_hint = false} : vector<8x128xf32>, vector<128x128xf32>, vector<8x128xf32> -> vector<8x128xf32>
    %get3A_16 = arith.constant 0 : index
    %get3A_17 = arith.constant 0 : index
    %get3A_18 = arith.constant 0 : index
    %get3A_19 = vector.load %arg0[%get3A_16, %get3A_17, %get3A_18] : memref<2x10240x8xf32, #tpu.memory_space<vmem>>, vector<2x10240x8xf32>
    %slice3A_20 = vector.extract_strided_slice %get3A_19 {offsets = [0, 0, 0], sizes = [1, 10000, 8], strides = [1, 1, 1]} : vector<2x10240x8xf32> to vector<1x10000x8xf32>
    %squeeze3A_21 = vector.shape_cast %slice3A_20 : vector<1x10000x8xf32> to vector<10000x8xf32>
    %slice3A_22 = vector.extract_strided_slice %get3A_19 {offsets = [1, 0, 0], sizes = [1, 10000, 8], strides = [1, 1, 1]} : vector<2x10240x8xf32> to vector<1x10000x8xf32>
    %squeeze3A_23 = vector.shape_cast %slice3A_22 : vector<1x10000x8xf32> to vector<10000x8xf32>
    %add3A_24 = arith.addf %squeeze3A_21, %squeeze3A_23 : vector<10000x8xf32>
    %dot_general3A_25 = arith.constant dense<0.000000e+00> : vector<10000x128xf32>
    %dot_general3A_26 = tpu.matmul %add3A_24, %dot_general3A_15, %dot_general3A_25 {dimension_numbers = #tpu.dot_dimension_numbers<[1], [0], [0], [1], [0, 0, 1, 1], [], []>, transpose_lhs_hint = false} : vector<10000x8xf32>, vector<8x128xf32>, vector<10000x128xf32> -> vector<10000x128xf32>
    %get3A_27 = arith.constant 0 : index
    %get3A_28 = arith.constant 0 : index
    %get3A_29 = vector.load %arg2[%get3A_27, %get3A_28] : memref<10000x1xi32, #tpu.memory_space<vmem>>, vector<10000x1xi32>
    %iota3A = tpu.iota {dimensions = array<i32: 1>} : vector<10000x8xi32>
    %eq3A = vector.broadcast %get3A_29 : vector<10000x1xi32> to vector<10000x8xi32>
    %eq3A_30 = arith.cmpi eq, %eq3A, %iota3A : vector<10000x8xi32>
    %convert_element_type3A = arith.extui %eq3A_30 : vector<10000x8xi1> to vector<10000x8xi32>
    %convert_element_type3A_31 = arith.sitofp %convert_element_type3A : vector<10000x8xi32> to vector<10000x8xf32>
    %dot_general3A_32 = arith.constant dense<0.000000e+00> : vector<10000x128xf32>
    %dot_general3A_33 = tpu.matmul %convert_element_type3A_31, %dot_general3A_15, %dot_general3A_32 {dimension_numbers = #tpu.dot_dimension_numbers<[1], [0], [0], [1], [0, 0, 1, 1], [], []>, transpose_lhs_hint = false} : vector<10000x8xf32>, vector<8x128xf32>, vector<10000x128xf32> -> vector<10000x128xf32>
    %mul3A = vector.broadcast %slice3A_8 : vector<10000x1xf32> to vector<10000x128xf32>
    %mul3A_34 = arith.mulf %dot_general3A_33, %mul3A : vector<10000x128xf32>
    %add3A_35 = arith.addf %dot_general3A_26, %mul3A_34 : vector<10000x128xf32>
    %mul3A_36 = vector.broadcast %slice3A_8 : vector<10000x1xf32> to vector<10000x128xf32>
    %mul3A_37 = arith.mulf %mul3A_36, %add3A_35 : vector<10000x128xf32>
    %get3A_38 = arith.constant 0 : index
    %get3A_39 = arith.constant 0 : index
    %get3A_40 = vector.load %arg5[%get3A_38, %get3A_39] : memref<1x128xf32, #tpu.memory_space<vmem>>, vector<1x128xf32>
    %add3A_41 = vector.broadcast %get3A_40 : vector<1x128xf32> to vector<10000x128xf32>
    %add3A_42 = arith.addf %mul3A_37, %add3A_41 : vector<10000x128xf32>
    %max3A = arith.constant 0.000000e+00 : f32
    %max3A_43 = vector.broadcast %max3A : f32 to vector<10000x128xf32>
    %max3A_44 = arith.maximumf %add3A_42, %max3A_43 : vector<10000x128xf32>
    %get3A_45 = arith.constant 0 : index
    %get3A_46 = arith.constant 0 : index
    %get3A_47 = vector.load %arg6[%get3A_45, %get3A_46] : memref<128x128xf32, #tpu.memory_space<vmem>>, vector<128x128xf32>
    %dot_general3A_48 = arith.constant dense<0.000000e+00> : vector<10000x128xf32>
    %dot_general3A_49 = tpu.matmul %max3A_44, %get3A_47, %dot_general3A_48 {dimension_numbers = #tpu.dot_dimension_numbers<[1], [0], [0], [1], [0, 0, 1, 1], [], []>, transpose_lhs_hint = false} : vector<10000x128xf32>, vector<128x128xf32>, vector<10000x128xf32> -> vector<10000x128xf32>
    %mul3A_50 = vector.broadcast %slice3A_8 : vector<10000x1xf32> to vector<10000x128xf32>
    %mul3A_51 = arith.mulf %dot_general3A_49, %mul3A_50 : vector<10000x128xf32>
    %swap3A = arith.constant 0 : index
    %swap3A_52 = arith.constant 0 : index
    %swap3A_53 = vector.load %arg7[%swap3A, %swap3A_52] : memref<10000x128xf32, #tpu.memory_space<vmem>>, vector<10000x128xf32>
    tpu.vector_store %arg7[%swap3A, %swap3A_52], %mul3A_51 {strides = array<i32>} : memref<10000x128xf32, #tpu.memory_space<vmem>>, vector<10000x128xf32>,
    return
  }
}

module attributes {stable_mosaic.version = 14 : i64} {
  func.func @_mid_body(%arg0: memref<2x10240x128xf32, #tpu.memory_space<vmem>>, %arg1: memref<10000x128xf32, #tpu.memory_space<vmem>>, %arg2: memref<2x10240x1xf32, #tpu.memory_space<vmem>>, %arg3: memref<1x128xf32, #tpu.memory_space<vmem>>, %arg4: memref<128x128xf32, #tpu.memory_space<vmem>>, %arg5: memref<10000x128xf32, #tpu.memory_space<vmem>>) attributes {dimension_semantics = [], scalar_prefetch = 0 : i64, scratch_operands = 0 : i64, tpu.core_type = #tpu.core_type<tc>} {
    %get3A = arith.constant 0 : index
    %get3A_0 = arith.constant 0 : index
    %get3A_1 = arith.constant 0 : index
    %get3A_2 = vector.load %arg2[%get3A, %get3A_0, %get3A_1] : memref<2x10240x1xf32, #tpu.memory_space<vmem>>, vector<2x10240x1xf32>
    %slice3A = vector.extract_strided_slice %get3A_2 {offsets = [0, 0, 0], sizes = [1, 10240, 1], strides = [1, 1, 1]} : vector<2x10240x1xf32> to vector<1x10240x1xf32>
    %squeeze3A = vector.shape_cast %slice3A : vector<1x10240x1xf32> to vector<10240x1xf32>
    %slice3A_3 = vector.extract_strided_slice %get3A_2 {offsets = [1, 0, 0], sizes = [1, 10240, 1], strides = [1, 1, 1]} : vector<2x10240x1xf32> to vector<1x10240x1xf32>
    %squeeze3A_4 = vector.shape_cast %slice3A_3 : vector<1x10240x1xf32> to vector<10240x1xf32>
    %add3A = arith.addf %squeeze3A, %squeeze3A_4 : vector<10240x1xf32>
    %add3A_5 = arith.constant 1.000000e+00 : f32
    %add3A_6 = vector.broadcast %add3A_5 : f32 to vector<10240x1xf32>
    %add3A_7 = arith.addf %add3A, %add3A_6 : vector<10240x1xf32>
    %rsqrt3A = math.rsqrt %add3A_7 : vector<10240x1xf32>
    %slice3A_8 = vector.extract_strided_slice %rsqrt3A {offsets = [0, 0], sizes = [10000, 1], strides = [1, 1]} : vector<10240x1xf32> to vector<10000x1xf32>
    %get3A_9 = arith.constant 0 : index
    %get3A_10 = arith.constant 0 : index
    %get3A_11 = arith.constant 0 : index
    %get3A_12 = vector.load %arg0[%get3A_9, %get3A_10, %get3A_11] : memref<2x10240x128xf32, #tpu.memory_space<vmem>>, vector<2x10240x128xf32>
    %slice3A_13 = vector.extract_strided_slice %get3A_12 {offsets = [0, 0, 0], sizes = [1, 10000, 128], strides = [1, 1, 1]} : vector<2x10240x128xf32> to vector<1x10000x128xf32>
    %squeeze3A_14 = vector.shape_cast %slice3A_13 : vector<1x10000x128xf32> to vector<10000x128xf32>
    %slice3A_15 = vector.extract_strided_slice %get3A_12 {offsets = [1, 0, 0], sizes = [1, 10000, 128], strides = [1, 1, 1]} : vector<2x10240x128xf32> to vector<1x10000x128xf32>
    %squeeze3A_16 = vector.shape_cast %slice3A_15 : vector<1x10000x128xf32> to vector<10000x128xf32>
    %add3A_17 = arith.addf %squeeze3A_14, %squeeze3A_16 : vector<10000x128xf32>
    %get3A_18 = arith.constant 0 : index
    %get3A_19 = arith.constant 0 : index
    %get3A_20 = vector.load %arg1[%get3A_18, %get3A_19] : memref<10000x128xf32, #tpu.memory_space<vmem>>, vector<10000x128xf32>
    %add3A_21 = arith.addf %add3A_17, %get3A_20 : vector<10000x128xf32>
    %mul3A = vector.broadcast %slice3A_8 : vector<10000x1xf32> to vector<10000x128xf32>
    %mul3A_22 = arith.mulf %mul3A, %add3A_21 : vector<10000x128xf32>
    %get3A_23 = arith.constant 0 : index
    %get3A_24 = arith.constant 0 : index
    %get3A_25 = vector.load %arg3[%get3A_23, %get3A_24] : memref<1x128xf32, #tpu.memory_space<vmem>>, vector<1x128xf32>
    %add3A_26 = vector.broadcast %get3A_25 : vector<1x128xf32> to vector<10000x128xf32>
    %add3A_27 = arith.addf %mul3A_22, %add3A_26 : vector<10000x128xf32>
    %max3A = arith.constant 0.000000e+00 : f32
    %max3A_28 = vector.broadcast %max3A : f32 to vector<10000x128xf32>
    %max3A_29 = arith.maximumf %add3A_27, %max3A_28 : vector<10000x128xf32>
    %get3A_30 = arith.constant 0 : index
    %get3A_31 = arith.constant 0 : index
    %get3A_32 = vector.load %arg4[%get3A_30, %get3A_31] : memref<128x128xf32, #tpu.memory_space<vmem>>, vector<128x128xf32>
    %dot_general3A = arith.constant dense<0.000000e+00> : vector<10000x128xf32>
    %dot_general3A_33 = tpu.matmul %max3A_29, %get3A_32, %dot_general3A {dimension_numbers = #tpu.dot_dimension_numbers<[1], [0], [0], [1], [0, 0, 1, 1], [], []>, transpose_lhs_hint = false} : vector<10000x128xf32>, vector<128x128xf32>, vector<10000x128xf32> -> vector<10000x128xf32>
    %mul3A_34 = vector.broadcast %slice3A_8 : vector<10000x1xf32> to vector<10000x128xf32>
    %mul3A_35 = arith.mulf %dot_general3A_33, %mul3A_34 : vector<10000x128xf32>
    %swap3A = arith.constant 0 : index
    %swap3A_36 = arith.constant 0 : index
    %swap3A_37 = vector.load %arg5[%swap3A, %swap3A_36] : memref<10000x128xf32, #tpu.memory_space<vmem>>, vector<10000x128xf32>
    tpu.vector_store %arg5[%swap3A, %swap3A_36], %mul3A_35 {strides = array<i32>} : memref<10000x128xf32, #tpu.memory_space<vmem>>, vector<10000x128xf32>,
    return
  }
}

module attributes {stable_mosaic.version = 14 : i64} {
  func.func @_head_body(%arg0: memref<2x10240x128xf32, #tpu.memory_space<vmem>>, %arg1: memref<10000x128xf32, #tpu.memory_space<vmem>>, %arg2: memref<2x10240x1xf32, #tpu.memory_space<vmem>>, %arg3: memref<1x128xf32, #tpu.memory_space<vmem>>, %arg4: memref<128x128xf32, #tpu.memory_space<vmem>>, %arg5: memref<1x128xf32, #tpu.memory_space<vmem>>, %arg6: memref<128x128xf32, #tpu.memory_space<vmem>>, %arg7: memref<1x128xf32, #tpu.memory_space<vmem>>, %arg8: memref<10000x1xi32, #tpu.memory_space<vmem>>, %arg9: memref<10000x128xf32, #tpu.memory_space<vmem>>, %arg10: memref<10000x1xi32, #tpu.memory_space<vmem>>) attributes {dimension_semantics = [], scalar_prefetch = 0 : i64, scratch_operands = 0 : i64, tpu.core_type = #tpu.core_type<tc>} {
    %get3A = arith.constant 0 : index
    %get3A_0 = arith.constant 0 : index
    %get3A_1 = arith.constant 0 : index
    %get3A_2 = vector.load %arg2[%get3A, %get3A_0, %get3A_1] : memref<2x10240x1xf32, #tpu.memory_space<vmem>>, vector<2x10240x1xf32>
    %slice3A = vector.extract_strided_slice %get3A_2 {offsets = [0, 0, 0], sizes = [1, 10240, 1], strides = [1, 1, 1]} : vector<2x10240x1xf32> to vector<1x10240x1xf32>
    %squeeze3A = vector.shape_cast %slice3A : vector<1x10240x1xf32> to vector<10240x1xf32>
    %slice3A_3 = vector.extract_strided_slice %get3A_2 {offsets = [1, 0, 0], sizes = [1, 10240, 1], strides = [1, 1, 1]} : vector<2x10240x1xf32> to vector<1x10240x1xf32>
    %squeeze3A_4 = vector.shape_cast %slice3A_3 : vector<1x10240x1xf32> to vector<10240x1xf32>
    %add3A = arith.addf %squeeze3A, %squeeze3A_4 : vector<10240x1xf32>
    %add3A_5 = arith.constant 1.000000e+00 : f32
    %add3A_6 = vector.broadcast %add3A_5 : f32 to vector<10240x1xf32>
    %add3A_7 = arith.addf %add3A, %add3A_6 : vector<10240x1xf32>
    %rsqrt3A = math.rsqrt %add3A_7 : vector<10240x1xf32>
    %slice3A_8 = vector.extract_strided_slice %rsqrt3A {offsets = [0, 0], sizes = [10000, 1], strides = [1, 1]} : vector<10240x1xf32> to vector<10000x1xf32>
    %get3A_9 = arith.constant 0 : index
    %get3A_10 = arith.constant 0 : index
    %get3A_11 = arith.constant 0 : index
    %get3A_12 = vector.load %arg0[%get3A_9, %get3A_10, %get3A_11] : memref<2x10240x128xf32, #tpu.memory_space<vmem>>, vector<2x10240x128xf32>
    %slice3A_13 = vector.extract_strided_slice %get3A_12 {offsets = [0, 0, 0], sizes = [1, 10000, 128], strides = [1, 1, 1]} : vector<2x10240x128xf32> to vector<1x10000x128xf32>
    %squeeze3A_14 = vector.shape_cast %slice3A_13 : vector<1x10000x128xf32> to vector<10000x128xf32>
    %slice3A_15 = vector.extract_strided_slice %get3A_12 {offsets = [1, 0, 0], sizes = [1, 10000, 128], strides = [1, 1, 1]} : vector<2x10240x128xf32> to vector<1x10000x128xf32>
    %squeeze3A_16 = vector.shape_cast %slice3A_15 : vector<1x10000x128xf32> to vector<10000x128xf32>
    %add3A_17 = arith.addf %squeeze3A_14, %squeeze3A_16 : vector<10000x128xf32>
    %get3A_18 = arith.constant 0 : index
    %get3A_19 = arith.constant 0 : index
    %get3A_20 = vector.load %arg1[%get3A_18, %get3A_19] : memref<10000x128xf32, #tpu.memory_space<vmem>>, vector<10000x128xf32>
    %add3A_21 = arith.addf %add3A_17, %get3A_20 : vector<10000x128xf32>
    %mul3A = vector.broadcast %slice3A_8 : vector<10000x1xf32> to vector<10000x128xf32>
    %mul3A_22 = arith.mulf %mul3A, %add3A_21 : vector<10000x128xf32>
    %get3A_23 = arith.constant 0 : index
    %get3A_24 = arith.constant 0 : index
    %get3A_25 = vector.load %arg3[%get3A_23, %get3A_24] : memref<1x128xf32, #tpu.memory_space<vmem>>, vector<1x128xf32>
    %add3A_26 = vector.broadcast %get3A_25 : vector<1x128xf32> to vector<10000x128xf32>
    %add3A_27 = arith.addf %mul3A_22, %add3A_26 : vector<10000x128xf32>
    %max3A = arith.constant 0.000000e+00 : f32
    %max3A_28 = vector.broadcast %max3A : f32 to vector<10000x128xf32>
    %max3A_29 = arith.maximumf %add3A_27, %max3A_28 : vector<10000x128xf32>
    %get3A_30 = arith.constant 0 : index
    %get3A_31 = arith.constant 0 : index
    %get3A_32 = vector.load %arg4[%get3A_30, %get3A_31] : memref<128x128xf32, #tpu.memory_space<vmem>>, vector<128x128xf32>
    %dot_general3A = arith.constant dense<0.000000e+00> : vector<10000x128xf32>
    %dot_general3A_33 = tpu.matmul %max3A_29, %get3A_32, %dot_general3A {dimension_numbers = #tpu.dot_dimension_numbers<[1], [0], [0], [1], [0, 0, 1, 1], [], []>, transpose_lhs_hint = false} : vector<10000x128xf32>, vector<128x128xf32>, vector<10000x128xf32> -> vector<10000x128xf32>
    %get3A_34 = arith.constant 0 : index
    %get3A_35 = arith.constant 0 : index
    %get3A_36 = vector.load %arg5[%get3A_34, %get3A_35] : memref<1x128xf32, #tpu.memory_space<vmem>>, vector<1x128xf32>
    %add3A_37 = vector.broadcast %get3A_36 : vector<1x128xf32> to vector<10000x128xf32>
    %add3A_38 = arith.addf %dot_general3A_33, %add3A_37 : vector<10000x128xf32>
    %max3A_39 = arith.constant 0.000000e+00 : f32
    %max3A_40 = vector.broadcast %max3A_39 : f32 to vector<10000x128xf32>
    %max3A_41 = arith.maximumf %add3A_38, %max3A_40 : vector<10000x128xf32>
    %get3A_42 = arith.constant 0 : index
    %get3A_43 = arith.constant 0 : index
    %get3A_44 = vector.load %arg6[%get3A_42, %get3A_43] : memref<128x128xf32, #tpu.memory_space<vmem>>, vector<128x128xf32>
    %dot_general3A_45 = arith.constant dense<0.000000e+00> : vector<10000x128xf32>
    %dot_general3A_46 = tpu.matmul %max3A_41, %get3A_44, %dot_general3A_45 {dimension_numbers = #tpu.dot_dimension_numbers<[1], [0], [0], [1], [0, 0, 1, 1], [], []>, transpose_lhs_hint = false} : vector<10000x128xf32>, vector<128x128xf32>, vector<10000x128xf32> -> vector<10000x128xf32>
    %get3A_47 = arith.constant 0 : index
    %get3A_48 = arith.constant 0 : index
    %get3A_49 = vector.load %arg7[%get3A_47, %get3A_48] : memref<1x128xf32, #tpu.memory_space<vmem>>, vector<1x128xf32>
    %add3A_50 = vector.broadcast %get3A_49 : vector<1x128xf32> to vector<10000x128xf32>
    %add3A_51 = arith.addf %dot_general3A_46, %add3A_50 : vector<10000x128xf32>
    %swap3A = arith.constant 0 : index
    %swap3A_52 = arith.constant 0 : index
    %swap3A_53 = vector.load %arg9[%swap3A, %swap3A_52] : memref<10000x128xf32, #tpu.memory_space<vmem>>, vector<10000x128xf32>
    tpu.vector_store %arg9[%swap3A, %swap3A_52], %add3A_51 {strides = array<i32>} : memref<10000x128xf32, #tpu.memory_space<vmem>>, vector<10000x128xf32>,
    %get3A_54 = arith.constant 0 : index
    %get3A_55 = arith.constant 0 : index
    %get3A_56 = vector.load %arg8[%get3A_54, %get3A_55] : memref<10000x1xi32, #tpu.memory_space<vmem>>, vector<10000x1xi32>
    %ne3A = arith.constant -1 : i32
    %ne3A_57 = vector.broadcast %ne3A : i32 to vector<10000x1xi32>
    %ne3A_58 = arith.cmpi ne, %get3A_56, %ne3A_57 : vector<10000x1xi32>
    %jit3A = arith.constant -1 : i32
    %broadcast_in_dim3A = vector.broadcast %jit3A : i32 to vector<10000x1xi32>
    %select_n3A = arith.select %ne3A_58, %get3A_56, %broadcast_in_dim3A : vector<10000x1xi1>, vector<10000x1xi32>
    %swap3A_59 = arith.constant 0 : index
    %swap3A_60 = arith.constant 0 : index
    %swap3A_61 = vector.load %arg10[%swap3A_59, %swap3A_60] : memref<10000x1xi32, #tpu.memory_space<vmem>>, vector<10000x1xi32>
    tpu.vector_store %arg10[%swap3A_59, %swap3A_60], %select_n3A {strides = array<i32>} : memref<10000x1xi32, #tpu.memory_space<vmem>>, vector<10000x1xi32>,
    return
  }
}

</mosaic_0001>

<sc_bundles>
// kernel: kernel.10.cloned.1.call-start
scs
__scs_entry_jumppad:
0x0: {  	(pc) =	sbr.rel $0x88, $3  }
0x1: {  	(tag) =	ssettag $0x0;
	lr =	simm.s32 $0x1  }
0x2: {  	[smem:$0x3F93] =	sst lr;
	_ =	strace $0xD0000000  }
0x3: {  	_ = 	snop  }
0x4: {  	_ = 	snop  }
0x5: {  	_ = 	snop  }
0x6: {  	_ = 	snop  }
0x7: {  	_ = 	snop  }
__scs_overlays_trampoline_lowered:
0x8: {  	[smem:$0x3FA2] =	sst s0  }
0x9: {  	[smem:$0x3FA3] =	sst s1  }
0xa: {  	[smem:$0x3FA4] =	sst s2  }
0xb: {  	[smem:$0x3FA5] =	sst s3  }
0xc: {  	[smem:$0x3FA6] =	sst s4  }
0xd: {  	[smem:$0x3FA7] =	sst s5  }
0xe: {  	[smem:$0x3FA8] =	sst s6  }
0xf: {  	[smem:$0x3FA9] =	sst s7  }
0x10: {  	[smem:$0x3FAA] =	sst s8  }
0x11: {  	[smem:$0x3FAB] =	sst s9;
	s0 =	simm.s32 @!p0 $0x0  }
0x12: {  	s1 =	sld [smem:$0x3F91];
	s0 =	simm.s32 @p0 $0x1  }
0x13: {  	[smem:$0x3FAC] =	sst s0;
	s0 =	simm.s32 @!p1 $0x0  }
0x14: {  	s2 =	sld [smem:$0x3F90];
	s0 =	simm.s32 @p1 $0x1  }
0x15: {  	[smem:$0x3FAD] =	sst s0;
	s0 =	simm.s32 @!p2 $0x0  }
0x16: {  	s3 =	sld [smem:$0x3FDB];
	s0 =	simm.s32 @p2 $0x1  }
0x17: {  	s4 =	simm.s32 $0x1BF5;
	[smem:$0x3FAF] =	sst s0  }
0x18: {  	s0 =	sld [smem:$0x3F92];
	_ =	swait.ge [sflag:s4], $0x0  }
0x19: {  	s7 =	sld [smem:$0x3F93]  }
0x1a: {  	s8 =	sadd.s32 $0xFFFFE003, lr  }
0x1b: {  	s9 =	sadd.s32 $0xFFFFFEF7, lr;
	s5 =	simm.s32 $0xFFFFFFFF;
	p2 =	slt.u32 s8, $0xFFFFF086  }
0x1c: {  	p1 =	slt.u32 s9, $0xF7A;
	s5 =	simm.s32 @!p2 $0x0  }
0x1d: {  	s5 =	simm.s32 @p1 $0x1;
	p0 =	seq.s32 s7, s2  }
0x1e: {  	s7 =	smul.u32 @!p0 $0xF7A, s2;
	p2 =	seq.s32 @!p0 s5, $0x0  }
0x1f: {  	s9 =	smul.u32 $0xF7A, s1;
	s8 =	simm.s32 @!p0 $0x1BF5;
	p2 =	por !p2, p0  }
0x20: {  	[sflag:s8] =	ssyncset.s32 @!p0 $0xFFFFF086;
	s6 =	sadd.s32 @!p0 s3, s7;
	s7 =	simm.s32 @!p0 $0x108  }
0x21: {  	s3 =	sadd.s32 s3, s9;
	s6 =	sadd.s32 @!p0 $0x88, s6;
	s7 =	simm.s32 @p2 $0x1082  }
0x22: {  	[simem:s7], [sflag:s8] =	dma.local @!p0 [hbm:s6], $0xF7A  }
0x23: {  	s9 =	sor.u32 $0xD0000000, s2;
	s6 =	simm.s32 $0x108;
	_ =	swait.ge @!p0 [sflag:s8], $0x0  }
0x24: {  	s3 =	sadd.s32 $0x88, s3;
	s6 =	simm.s32 @!p1 $0x1082;
	[sflag:s4] =	ssyncset.s32 $0xFFFFF086  }
0x25: {  	[simem:s6], [sflag:s4] =	dma.local [hbm:s3], $0xF7A  }
0x26: {  	[smem:$0x3F93] =	sst s1;
	(tag) =	ssettag s2;
	_ =	strace s9  }
0x27: {  	s1 =	sld [smem:$0x3FA3]  }
0x28: {  	s2 =	sld [smem:$0x3FA4]  }
0x29: {  	s4 =	sld [smem:$0x3FA6]  }
0x2a: {  	p0 =	seq.s32 s5, $0x0;
	s5 =	sld [smem:$0x3FA7]  }
0x2b: {  	s6 =	sld [smem:$0x3FA8]  }
0x2c: {  	s7 =	sld [smem:$0x3FA9]  }
0x2d: {  	s3 =	simm.s32 $0x108;
	s8 =	sld [smem:$0x3FAA]  }
0x2e: {  	s3 =	simm.s32 @!p0 $0x1082;
	s9 =	sld [smem:$0x3FAB]  }
0x2f: {  	lr =	sadd.s32 s0, s3;
	s0 =	sld [smem:$0x3FA2]  }
0x30: {  	s3 =	sld [smem:$0x3FA5]  }
0x31: {  	[smem:$0x3FAE] =	sst s10  }
0x32: {  	s10 =	sld [smem:$0x3FAC];
	_ =	sdelay $0x3  }
0x33: {  	p0 =	seq.s32 s10, $0x1;
	s10 =	sld [smem:$0x3FAE];
	_ =	sdelay $0x3  }
0x34: {  	[smem:$0x3FAE] =	sst s10  }
0x35: {  	s10 =	sld [smem:$0x3FAD];
	_ =	sdelay $0x3  }
0x36: {  	p1 =	seq.s32 s10, $0x1;
	s10 =	sld [smem:$0x3FAE];
	_ =	sdelay $0x3  }
0x37: {  	[smem:$0x3FAE] =	sst s10  }
0x38: {  	s10 =	sld [smem:$0x3FAF]  }
0x39: {  	_ = 	snop;
	(pc) =	sbr.ind lr, $3  }
0x3a: {  	_ = 	snop  }
0x3b: {  	_ = 	snop  }
0x3c: {  	p2 =	seq.s32 s10, $0x1;
	s10 =	sld [smem:$0x3FAE]  }
0x3d: {  	_ =	shalt  }
0x3e: {  	_ =	shalt  }
0x3f: {  	_ =	shalt  }
0x40: {  	_ =	shalt  }
0x41: {  	_ =	shalt  }
0x42: {  	_ =	shalt  }
0x43: {  	_ =	shalt  }
0x44: {  	_ =	shalt  }
0x45: {  	_ =	shalt  }
0x46: {  	_ =	shalt  }
0x47: {  	_ =	shalt  }
0x48: {  	_ =	shalt  }
0x49: {  	_ =	shalt  }
0x4a: {  	_ =	shalt  }
0x4b: {  	_ =	shalt  }
0x4c: {  	_ =	shalt  }
0x4d: {  	_ =	shalt  }
0x4e: {  	_ =	shalt  }
0x4f: {  	_ =	shalt  }
0x50: {  	_ =	shalt  }
0x51: {  	_ =	shalt  }
0x52: {  	_ =	shalt  }
0x53: {  	_ =	shalt  }
0x54: {  	_ =	shalt  }
0x55: {  	_ =	shalt  }
0x56: {  	_ =	shalt  }
0x57: {  	_ =	shalt  }
0x58: {  	_ =	shalt  }
0x59: {  	_ =	shalt  }
0x5a: {  	_ =	shalt  }
0x5b: {  	_ =	shalt  }
0x5c: {  	_ =	shalt  }
0x5d: {  	_ =	shalt  }
0x5e: {  	_ =	shalt  }
0x5f: {  	_ =	shalt  }
0x60: {  	_ =	shalt  }
0x61: {  	_ =	shalt  }
0x62: {  	_ =	shalt  }
0x63: {  	_ =	shalt  }
0x64: {  	_ =	shalt  }
0x65: {  	_ =	shalt  }
0x66: {  	_ =	shalt  }
0x67: {  	_ =	shalt  }
0x68: {  	_ =	shalt  }
0x69: {  	_ =	shalt  }
0x6a: {  	_ =	shalt  }
0x6b: {  	_ =	shalt  }
0x6c: {  	_ =	shalt  }
0x6d: {  	_ =	shalt  }
0x6e: {  	_ =	shalt  }
0x6f: {  	_ =	shalt  }
0x70: {  	_ =	shalt  }
0x71: {  	_ =	shalt  }
0x72: {  	_ =	shalt  }
0x73: {  	_ =	shalt  }
0x74: {  	_ =	shalt  }
0x75: {  	_ =	shalt  }
0x76: {  	_ =	shalt  }
0x77: {  	_ =	shalt  }
0x78: {  	_ =	shalt  }
0x79: {  	_ =	shalt  }
0x7a: {  	_ =	shalt  }
0x7b: {  	_ =	shalt  }
0x7c: {  	_ =	shalt  }
0x7d: {  	_ =	shalt  }
0x7e: {  	_ =	shalt  }
0x7f: {  	_ =	shalt  }
0x80: {  	_ =	shalt  }
0x81: {  	_ =	shalt  }
0x82: {  	_ =	shalt  }
0x83: {  	_ =	shalt  }
0x84: {  	_ =	shalt  }
0x85: {  	_ =	shalt  }
0x86: {  	_ =	shalt  }
0x87: {  	_ =	shalt  }
.Lfunc_end0:
.L_simem_size_0:
called_computation_lowered:
.L_overlay_start_0:
0x88: {  	s2 =	sld [smem:$0x3FD9]  }
0x89: {  	s3 =	sld [smem:$0x3FFE];
	_ =	sdelay $0x1  }
0x8a: {  	s1 =	srdreg.scid  }
0x8b: {  	s0 =	sand.u32 $0x1, s1  }
0x8c: {  	s14 =	sshll.u32 s0, $0xA;
	s2 =	sadd.s32 s3, s2  }
0x8d: {  	s2 =	sadd.s32 s2, s14  }
0x8e: {  	[smem:$0x3FBA] =	sst s2  }
0x8f: {  	_ = 	snop  }
0x90: {  	s2 =	sld [smem:$0x3FD0];
	_ =	sdelay $0x2  }
0x91: {  	s15 =	simm.s32 $0xA;
	s4 =	simm.s32 $0x10  }
0x92: {  	[smem:s4], [sflag:s15] =	dma.local [hbm:s2], $0x1  }
0x93: {  	_ =	swait.eq [sflag:s15], $0x1  }
0x94: {  	s16 =	sld [smem:$0x10];
	[sflag:s15] =	ssyncset.done $0x0  }
0x95: {  	s17 =	sld [smem:$0x11];
	[sflag:s15] =	ssyncadd.s32 $0xFFFFFFFF  }
0x96: {  	s18 =	sld [smem:$0x12];
	(tm) =	ssettm $0x1  }
0x97: {  	s5 =	sld [smem:$0x3FFB];
	_ =	sdelay $0x3  }
0x98: {  	_ =	strace s5  }
0x99: {  	s5 =	sld [smem:$0x3FFC];
	_ =	sdelay $0x3  }
0x9a: {  	_ =	strace s5  }
0x9b: {  	s5 =	sld [smem:$0x3FFD];
	_ =	sdelay $0x3  }
0x9c: {  	_ =	strace s5  }
0x9d: {  	_ =	strace $0x8FFFFFFF  }
0x9e: {  	s19 =	sld [smem:$0x3FDB];
	_ =	sdelay $0x1  }
0x9f: {  	s6 =	simm.s32 $_scs_section_size  }
0xa0: {  	s7 =	simm.s32 $_size__tile_overlayer_lowered;
	s8 =	simm.s32 $_tile_overlayer_lowered  }
0xa1: {  	s22 =	simm.s32 $0x1BFF;
	s21 =	sshll.u32 s8, $0x1;
	s5 =	sadd.s32 s6, s19  }
0xa2: {  	s9 =	simm.s32 $0x0;
	s20 =	sshll.u32 s7, $0x1;
	s7 =	sadd.s32 s21, s5  }
0xa3: {  	[timem:s9], [sflag:s22] =	dma.local [hbm:s7], s20  }
0xa4: {  	_ =	swait.ge [sflag:s22], s20  }
0xa5: {  	s6 =	ssub.s32 $0x0, s20;
	[sflag:s22] =	ssyncset.done $0x0  }
0xa6: {  	[sflag:s22] =	ssyncadd.s32 s6;
	_ =	sdelay $0x1  }
0xa7: {  	s23 =	simm.s32 $0x1B8B  }
0xa8: {  	_ =	swait.ge [sflag:s23], $0x1  }
0xa9: {  	[sflag:s23] =	ssyncset.done $0x0  }
0xaa: {  	s25 =	simm.s32 $0x1B8E;
	s24 =	sld [smem:$0x3FFE];
	[sflag:s23] =	ssyncadd.s32 $0xFFFFFFFF  }
0xab: {  	s26 =	simm.s32 $execute0_lowered;
	[smem:$0x3FD2] =	sst s25  }
0xac: {  	s7 =	sshll.u32 s26, $0x1;
	_ =	strace $0x80000046;
	[dreg:$0x1] =	wrdreg $0xFFFFFFFF  }
0xad: {  	s28 =	simm.s32 $_size_execute0_lowered;
	s5 =	sadd.s32 s5, s7;
	[dreg:$0x0] =	wrdreg $0x0  }
0xae: {  	s7 =	sshll.u32 s28, $0x1;
	[dreg:$0x2] =	wrdreg s5  }
0xaf: {  	[dreg:$0x3] =	wrdreg s7  }
0xb0: {  	[dreg:$0x4] =	wrdreg $0xC0  }
0xb1: {  	_ =	task [dreg:s9], $0x5FFFF  }
0xb2: {  	[dreg:$0x1] =	wrdreg $0xFFFFFFFF  }
0xb3: {  	[dreg:$0x0] =	wrdreg $0x60  }
0xb4: {  	[dreg:$0x2] =	wrdreg s24  }
0xb5: {  	[dreg:$0x3] =	wrdreg s17  }
0xb6: {  	[dreg:$0x4] =	wrdreg s18  }
0xb7: {  	[dreg:$0x5] =	wrdreg s16  }
0xb8: {  	[dreg:$0x6] =	wrdreg $0x28800  }
0xb9: {  	[dreg:$0x7] =	wrdreg $0x9  }
0xba: {  	_ =	task.clear_ibuf [dreg:s9], $0x8FFFF;
	_ =	strace $0x90000046  }
0xbb: {  	s29 =	simm.s32 $0x9;
	_ =	strace $0x80000048  }
0xbc: {  	_ =	swait.ge [sflag:s29], $0x1  }
0xbd: {  	[sflag:s29] =	ssyncadd.s32 $0xFFFFFFFF  }
0xbe: {  	_ =	strace $0x90000048  }
0xbf: {  	_ =	sfence  }
0xc0: {  	s30 =	sld [smem:$0x0];
	_ =	sdelay $0x2  }
0xc1: {  	s31 =	sshll.u32 s1, $0xD;
	s1 =	sshrl.u32 s1, $0x2  }
0xc2: {  	s3 =	sand.u32 $0x4000, s31;
	s1 =	sadd.s32 s1, s30  }
0xc3: {  	s0 =	sor.u32 s3, s0;
	s1 =	sshll.u32 s1, $0x11  }
0xc4: {  	s0 =	sor.u32 s1, s0  }
0xc5: {  	s0 =	sadd.s32 $0x8F2B, s0  }
0xc6: {  	[sflag:s0] =	ssyncadd.remote.s32 $0x1  }
0xc7: {  	_ =	sfence.sel $0xFFFF  }
0xc8: {  	[dreg:$0x0] =	wrdreg $0xFFFFFFFF;
	(pc) =	sbr.abs _section_cstart, $3  }
0xc9: {  	[dreg:$0x1] =	wrdreg $0xFFFFFFFF  }
0xca: {  	_ =	task.clear_ibuf [dreg:s9], $0x2FFFF;
	_ =	strace $0x9FFFFFFF  }
0xcb: {  	(tm) =	ssettm $0x7FFFFFFF  }
tec
execute0_lowered:
.L_overlay_start_1:
0x0: {  	(tag) =	ssettag $0x1  }
0x1: {  	s5 =	rddreg [dreg:$0x0]  }
0x2: {  	s0 =	rddreg [dreg:$0x1]  }
0x3: {  	s6 =	rddreg [dreg:$0x2]  }
0x4: {  	s8 =	rddreg [dreg:$0x3]  }
0x5: {  	s1 =	srdreg.scid;
	s3 =	rddreg [dreg:$0x4]  }
0x6: {  	s13 =	simm.s32 $0x80;
	s7 =	sand.u32 $0x1, s1;
	s1 =	stileid.u32  }
0x7: {  	s14 =	simm.s32 $0x0;
	s2 =	sshll.u32 s7, $0x4;
	s11 =	smul.u32 $0x280, s1  }
0x8: {  	s10 =	ssub.s32 $0x2, s7;
	s7 =	smul.u32 $0x2800, s7;
	s31 =	sshll.u32 s1, $0x6  }
0x9: {  	s4 =	sor.u32 s1, s2;
	s2 =	rddreg [dreg:$0x5];
	s12 =	sshrl.u32 s10, $0x1  }
0xa: {  	s9 =	smul.u32 $0x500, s4;
	s4 =	simm.s32 $0x0;
	s10 =	ssub.s32 s10, s12  }
0xb: {  	s29 =	sadd.s32 s11, s3;
	s30 =	sshrl.u32 s11, $0x3;
	s7 =	sadd.s32 s11, s7  }
0xc: {  	s12 =	simm.s32 $0x2800;
	[smem:$0x7FF] =	sst s4;
	s11 =	sshrl.u32 s7, $0x3  }
0xd: {  	_ =	strace $0x80000047;
	s9 =	sadd.s32 s9, s5;
	s5 =	sadd.s32 s6, s30  }
0xe: {  	s6 =	sor.u32 $0x1C01, s31;
	s8 =	sadd.s32 s8, s11;
	s11 =	simm.s32 $0x1  }
0xf: {  	s7 =	sadd.s32 $0x2800, s9;
	s9 =	smax.u32 s10, $0x1;
	s10 =	sshrl.u32 s29, $0x3  }
.LBB2_1:
0x10: {  	[spmem:s10], [sflag:s6] =	dma.local [hbm:s5], $0x50  }
0x11: {  	_ =	swait.ge [sflag:s11], $0x50  }
0x12: {  	[sflag:s11] =	ssyncset.done $0x0  }
0x13: {  	[sflag:s11] =	ssyncadd.s32 $0xFFFFFFB0  }
0x14: {  	[tilespmem:s12], [sflag:$0x1] =	stream.linear.gather [hbm4b:s0+s4], $0x80, $0x38;
	[tilespmem:$0x2B00] =	vst v63  }
0x15: {  	_ =	swait.ge [sflag:s11], $0x80  }
0x16: {  	[sflag:s11] =	ssyncset.done $0x0  }
0x17: {  	[sflag:s11] =	ssyncadd.s32 $0xFFFFFF80  }
0x18: {  	[tilespmem:s4], [sflag:$0x1] =	stream.linear.gather [hbm4b:s7+s4], $0x2780, $0x38;
	[tilespmem:$0x2B00] =	vst v63  }
0x19: {  	_ =	swait.ge [sflag:s11], $0x2780  }
0x1a: {  	[sflag:s11] =	ssyncset.done $0x0  }
0x1b: {  	[sflag:s11] =	ssyncadd.s32 $0xFFFFD880  }
0x1c: {  	s15 =	simm.s32 $0x0;
	[bflag:$0x0] =	sbarrier.arrive $0xFFFF  }
0x1d: {  	[spmem:s3] =	stream.indirect.scatter.add.f32 [tilespmem:s12], [sflag:$0x1], $0x1, s15, s13, $0xb8;
	[tilespmem:$0x2B00] =	vst v63  }
0x1e: {  	_ =	swait.ge [sflag:s11], $0x80  }
0x1f: {  	s15 =	simm.s32 $0x200;
	[sflag:s11] =	ssyncset.done $0x0  }
.LBB2_2:
0x20: {  	s16 =	sshra.s32 s15, $0x2;
	[sflag:s11] =	ssyncadd.s32 $0xFFFFFF80;
	p0 =	sne.s32 s15, $0x9C00  }
0x21: {  	[spmem:s3] =	stream.indirect.scatter.add.f32 [tilespmem:s12], [sflag:$0x1], $0x1, s16, s13, $0xb8;
	[tilespmem:$0x2B00] =	vst v63  }
.Ltmp0:
0x22: {  	_ = 	snop;
	(pc) =	sbr.rel @p0 .LBB2_2-.Ltmp0, $4  }
0x23: {  	_ = 	snop  }
0x24: {  	s15 =	sadd.s32 $0x200, s15  }
0x25: {  	_ =	swait.ge [sflag:s11], $0x80  }
0x26: {  	[sflag:s11] =	ssyncset.done $0x0  }
0x27: {  	s14 =	sadd.s32 $0x1, s14  }
0x28: {  	[sflag:s11] =	ssyncadd.s32 $0xFFFFFF80;
	p0 =	sne.s32 s14, s9  }
.Ltmp1:
0x29: {  	[bflag:$0x0] =	sbarrier.arrive $0xFFFF;
	(pc) =	sbr.rel @p0 .LBB2_1-.Ltmp1, $4  }
0x2a: {  	[hbm:s8], [sflag:s6] =	dma.local [spmem:s10], $0x50  }
0x2b: {  	_ =	swait.ge [sflag:s11], $0x50  }
0x2c: {  	[sflag:s11] =	ssyncset.done $0x0  }
0x2d: {  	[sflag:s11] =	ssyncadd.s32 $0xFFFFFFB0  }
0x2e: {  	_ =	sfence.sel $0x180000  }
0x2f: {  	[bflag:$0x0] =	sbarrier.arrive $0xFFFF  }
0x30: {  	p0 =	sne.s32 s1, $0x0;
	_ =	strace $0x90000047  }
0x31: {  	s0 =	sadd.s32 @!p0 $0x100000, s2;
	[bflag:$0x2] =	sbarrier.arrive $0xFFFF  }
0x32: {  	[sflag:s0] =	ssyncadd.tile.s32 @!p0 $0x1;
	_ =	shalt  }
.Lfunc_end2:
_tile_overlayer_lowered:
.L_overlay_start_2:
0x33: {  	(tag) =	ssettag $0x2  }
0x34: {  	s0 =	rddreg [dreg:$0x0];
	s2 =	stileid.u32  }
0x35: {  	s1 =	rddreg [dreg:$0x1];
	p0 =	sne.s32 s2, $0x0  }
0x36: {  	s3 =	rddreg [dreg:$0x2];
	[bflag:$0x3] =	sbarrier.arrive $0xFFFF;
	s2 =	simm.s32 @!p0 $0x1C01  }
0x37: {  	[timem:s3], [sflag:s2] =	dma.local @!p0 [hbm:s0], s1  }
0x38: {  	s0 =	simm.s32 @!p0 $0x1  }
0x39: {  	_ =	swait.ge @!p0 [sflag:s0], s1  }
0x3a: {  	s1 =	ssub.s32 @!p0 $0x0, s1;
	[sflag:s0] =	ssyncset.done @!p0 $0x0  }
0x3b: {  	[sflag:s0] =	ssyncadd.s32 @!p0 s1  }
0x3c: {  	[bflag:$0x3] =	sbarrier.arrive $0xFFFF  }
0x3d: {  	_ =	shalt  }

// kernel: kernel.13.cloned.1.call-start
scs
__scs_entry_jumppad:
0x0: {  	(pc) =	sbr.rel $0x88, $3  }
0x1: {  	(tag) =	ssettag $0x0;
	lr =	simm.s32 $0x1  }
0x2: {  	[smem:$0x3F93] =	sst lr;
	_ =	strace $0xD0000000  }
0x3: {  	_ = 	snop  }
0x4: {  	_ = 	snop  }
0x5: {  	_ = 	snop  }
0x6: {  	_ = 	snop  }
0x7: {  	_ = 	snop  }
__scs_overlays_trampoline_lowered:
0x8: {  	[smem:$0x3FA2] =	sst s0  }
0x9: {  	[smem:$0x3FA3] =	sst s1  }
0xa: {  	[smem:$0x3FA4] =	sst s2  }
0xb: {  	[smem:$0x3FA5] =	sst s3  }
0xc: {  	[smem:$0x3FA6] =	sst s4  }
0xd: {  	[smem:$0x3FA7] =	sst s5  }
0xe: {  	[smem:$0x3FA8] =	sst s6  }
0xf: {  	[smem:$0x3FA9] =	sst s7  }
0x10: {  	[smem:$0x3FAA] =	sst s8  }
0x11: {  	[smem:$0x3FAB] =	sst s9;
	s0 =	simm.s32 @!p0 $0x0  }
0x12: {  	s1 =	sld [smem:$0x3F91];
	s0 =	simm.s32 @p0 $0x1  }
0x13: {  	[smem:$0x3FAC] =	sst s0;
	s0 =	simm.s32 @!p1 $0x0  }
0x14: {  	s2 =	sld [smem:$0x3F90];
	s0 =	simm.s32 @p1 $0x1  }
0x15: {  	[smem:$0x3FAD] =	sst s0;
	s0 =	simm.s32 @!p2 $0x0  }
0x16: {  	s3 =	sld [smem:$0x3FDB];
	s0 =	simm.s32 @p2 $0x1  }
0x17: {  	s4 =	simm.s32 $0x1BF5;
	[smem:$0x3FAF] =	sst s0  }
0x18: {  	s0 =	sld [smem:$0x3F92];
	_ =	swait.ge [sflag:s4], $0x0  }
0x19: {  	s7 =	sld [smem:$0x3F93]  }
0x1a: {  	s8 =	sadd.s32 $0xFFFFE003, lr  }
0x1b: {  	s9 =	sadd.s32 $0xFFFFFEF7, lr;
	s5 =	simm.s32 $0xFFFFFFFF;
	p2 =	slt.u32 s8, $0xFFFFF086  }
0x1c: {  	p1 =	slt.u32 s9, $0xF7A;
	s5 =	simm.s32 @!p2 $0x0  }
0x1d: {  	s5 =	simm.s32 @p1 $0x1;
	p0 =	seq.s32 s7, s2  }
0x1e: {  	s7 =	smul.u32 @!p0 $0xF7A, s2;
	p2 =	seq.s32 @!p0 s5, $0x0  }
0x1f: {  	s9 =	smul.u32 $0xF7A, s1;
	s8 =	simm.s32 @!p0 $0x1BF5;
	p2 =	por !p2, p0  }
0x20: {  	[sflag:s8] =	ssyncset.s32 @!p0 $0xFFFFF086;
	s6 =	sadd.s32 @!p0 s3, s7;
	s7 =	simm.s32 @!p0 $0x108  }
0x21: {  	s3 =	sadd.s32 s3, s9;
	s6 =	sadd.s32 @!p0 $0x88, s6;
	s7 =	simm.s32 @p2 $0x1082  }
0x22: {  	[simem:s7], [sflag:s8] =	dma.local @!p0 [hbm:s6], $0xF7A  }
0x23: {  	s9 =	sor.u32 $0xD0000000, s2;
	s6 =	simm.s32 $0x108;
	_ =	swait.ge @!p0 [sflag:s8], $0x0  }
0x24: {  	s3 =	sadd.s32 $0x88, s3;
	s6 =	simm.s32 @!p1 $0x1082;
	[sflag:s4] =	ssyncset.s32 $0xFFFFF086  }
0x25: {  	[simem:s6], [sflag:s4] =	dma.local [hbm:s3], $0xF7A  }
0x26: {  	[smem:$0x3F93] =	sst s1;
	(tag) =	ssettag s2;
	_ =	strace s9  }
0x27: {  	s1 =	sld [smem:$0x3FA3]  }
0x28: {  	s2 =	sld [smem:$0x3FA4]  }
0x29: {  	s4 =	sld [smem:$0x3FA6]  }
0x2a: {  	p0 =	seq.s32 s5, $0x0;
	s5 =	sld [smem:$0x3FA7]  }
0x2b: {  	s6 =	sld [smem:$0x3FA8]  }
0x2c: {  	s7 =	sld [smem:$0x3FA9]  }
0x2d: {  	s3 =	simm.s32 $0x108;
	s8 =	sld [smem:$0x3FAA]  }
0x2e: {  	s3 =	simm.s32 @!p0 $0x1082;
	s9 =	sld [smem:$0x3FAB]  }
0x2f: {  	lr =	sadd.s32 s0, s3;
	s0 =	sld [smem:$0x3FA2]  }
0x30: {  	s3 =	sld [smem:$0x3FA5]  }
0x31: {  	[smem:$0x3FAE] =	sst s10  }
0x32: {  	s10 =	sld [smem:$0x3FAC];
	_ =	sdelay $0x3  }
0x33: {  	p0 =	seq.s32 s10, $0x1;
	s10 =	sld [smem:$0x3FAE];
	_ =	sdelay $0x3  }
0x34: {  	[smem:$0x3FAE] =	sst s10  }
0x35: {  	s10 =	sld [smem:$0x3FAD];
	_ =	sdelay $0x3  }
0x36: {  	p1 =	seq.s32 s10, $0x1;
	s10 =	sld [smem:$0x3FAE];
	_ =	sdelay $0x3  }
0x37: {  	[smem:$0x3FAE] =	sst s10  }
0x38: {  	s10 =	sld [smem:$0x3FAF]  }
0x39: {  	_ = 	snop;
	(pc) =	sbr.ind lr, $3  }
0x3a: {  	_ = 	snop  }
0x3b: {  	_ = 	snop  }
0x3c: {  	p2 =	seq.s32 s10, $0x1;
	s10 =	sld [smem:$0x3FAE]  }
0x3d: {  	_ =	shalt  }
0x3e: {  	_ =	shalt  }
0x3f: {  	_ =	shalt  }
0x40: {  	_ =	shalt  }
0x41: {  	_ =	shalt  }
0x42: {  	_ =	shalt  }
0x43: {  	_ =	shalt  }
0x44: {  	_ =	shalt  }
0x45: {  	_ =	shalt  }
0x46: {  	_ =	shalt  }
0x47: {  	_ =	shalt  }
0x48: {  	_ =	shalt  }
0x49: {  	_ =	shalt  }
0x4a: {  	_ =	shalt  }
0x4b: {  	_ =	shalt  }
0x4c: {  	_ =	shalt  }
0x4d: {  	_ =	shalt  }
0x4e: {  	_ =	shalt  }
0x4f: {  	_ =	shalt  }
0x50: {  	_ =	shalt  }
0x51: {  	_ =	shalt  }
0x52: {  	_ =	shalt  }
0x53: {  	_ =	shalt  }
0x54: {  	_ =	shalt  }
0x55: {  	_ =	shalt  }
0x56: {  	_ =	shalt  }
0x57: {  	_ =	shalt  }
0x58: {  	_ =	shalt  }
0x59: {  	_ =	shalt  }
0x5a: {  	_ =	shalt  }
0x5b: {  	_ =	shalt  }
0x5c: {  	_ =	shalt  }
0x5d: {  	_ =	shalt  }
0x5e: {  	_ =	shalt  }
0x5f: {  	_ =	shalt  }
0x60: {  	_ =	shalt  }
0x61: {  	_ =	shalt  }
0x62: {  	_ =	shalt  }
0x63: {  	_ =	shalt  }
0x64: {  	_ =	shalt  }
0x65: {  	_ =	shalt  }
0x66: {  	_ =	shalt  }
0x67: {  	_ =	shalt  }
0x68: {  	_ =	shalt  }
0x69: {  	_ =	shalt  }
0x6a: {  	_ =	shalt  }
0x6b: {  	_ =	shalt  }
0x6c: {  	_ =	shalt  }
0x6d: {  	_ =	shalt  }
0x6e: {  	_ =	shalt  }
0x6f: {  	_ =	shalt  }
0x70: {  	_ =	shalt  }
0x71: {  	_ =	shalt  }
0x72: {  	_ =	shalt  }
0x73: {  	_ =	shalt  }
0x74: {  	_ =	shalt  }
0x75: {  	_ =	shalt  }
0x76: {  	_ =	shalt  }
0x77: {  	_ =	shalt  }
0x78: {  	_ =	shalt  }
0x79: {  	_ =	shalt  }
0x7a: {  	_ =	shalt  }
0x7b: {  	_ =	shalt  }
0x7c: {  	_ =	shalt  }
0x7d: {  	_ =	shalt  }
0x7e: {  	_ =	shalt  }
0x7f: {  	_ =	shalt  }
0x80: {  	_ =	shalt  }
0x81: {  	_ =	shalt  }
0x82: {  	_ =	shalt  }
0x83: {  	_ =	shalt  }
0x84: {  	_ =	shalt  }
0x85: {  	_ =	shalt  }
0x86: {  	_ =	shalt  }
0x87: {  	_ =	shalt  }
.Lfunc_end0:
.L_simem_size_0:
called_computation.1_lowered:
.L_overlay_start_0:
0x88: {  	s2 =	sld [smem:$0x3FD9]  }
0x89: {  	s3 =	sld [smem:$0x3FFE];
	_ =	sdelay $0x1  }
0x8a: {  	s1 =	srdreg.scid  }
0x8b: {  	s0 =	sand.u32 $0x1, s1  }
0x8c: {  	s14 =	sshll.u32 s0, $0xA;
	s2 =	sadd.s32 s3, s2  }
0x8d: {  	s2 =	sadd.s32 s2, s14  }
0x8e: {  	[smem:$0x3FBA] =	sst s2  }
0x8f: {  	_ = 	snop  }
0x90: {  	s2 =	sld [smem:$0x3FD0];
	_ =	sdelay $0x2  }
0x91: {  	s15 =	simm.s32 $0xA;
	s4 =	simm.s32 $0x10  }
0x92: {  	[smem:s4], [sflag:s15] =	dma.local [hbm:s2], $0x1  }
0x93: {  	_ =	swait.eq [sflag:s15], $0x1  }
0x94: {  	[sflag:s15] =	ssyncset.done $0x0  }
0x95: {  	s16 =	sld [smem:$0x10];
	[sflag:s15] =	ssyncadd.s32 $0xFFFFFFFF  }
0x96: {  	s17 =	sld [smem:$0x12];
	(tm) =	ssettm $0x1  }
0x97: {  	s18 =	sld [smem:$0x3FFB];
	_ =	sdelay $0x3  }
0x98: {  	_ =	strace s18  }
0x99: {  	s4 =	sld [smem:$0x3FFC];
	_ =	sdelay $0x3  }
0x9a: {  	_ =	strace s4  }
0x9b: {  	s4 =	sld [smem:$0x3FFD];
	_ =	sdelay $0x3  }
0x9c: {  	_ =	strace s4  }
0x9d: {  	_ =	strace $0x8FFFFFFF  }
0x9e: {  	s19 =	sld [smem:$0x3FDB];
	_ =	sdelay $0x1  }
0x9f: {  	s5 =	simm.s32 $_scs_section_size  }
0xa0: {  	s6 =	simm.s32 $_size__tile_overlayer_lowered;
	s7 =	simm.s32 $_tile_overlayer_lowered  }
0xa1: {  	s22 =	simm.s32 $0x1BFF;
	s21 =	sshll.u32 s7, $0x1;
	s4 =	sadd.s32 s5, s19  }
0xa2: {  	s8 =	simm.s32 $0x0;
	s20 =	sshll.u32 s6, $0x1;
	s6 =	sadd.s32 s21, s4  }
0xa3: {  	[timem:s8], [sflag:s22] =	dma.local [hbm:s6], s20  }
0xa4: {  	_ =	swait.ge [sflag:s22], s20  }
0xa5: {  	s5 =	ssub.s32 $0x0, s20;
	[sflag:s22] =	ssyncset.done $0x0  }
0xa6: {  	[sflag:s22] =	ssyncadd.s32 s5;
	_ =	sdelay $0x1  }
0xa7: {  	s23 =	simm.s32 $0x1B8B  }
0xa8: {  	_ =	swait.ge [sflag:s23], $0x1  }
0xa9: {  	[sflag:s23] =	ssyncset.done $0x0  }
0xaa: {  	s25 =	simm.s32 $0x1B8E;
	s24 =	sld [smem:$0x3FFE];
	[sflag:s23] =	ssyncadd.s32 $0xFFFFFFFF  }
0xab: {  	s26 =	simm.s32 $execute0_lowered;
	[smem:$0x3FD2] =	sst s25  }
0xac: {  	s6 =	sshll.u32 s26, $0x1;
	_ =	strace $0x80000049;
	[dreg:$0x1] =	wrdreg $0xFFFFFFFF  }
0xad: {  	s28 =	simm.s32 $_size_execute0_lowered;
	s4 =	sadd.s32 s4, s6;
	[dreg:$0x0] =	wrdreg $0x0  }
0xae: {  	s6 =	sshll.u32 s28, $0x1;
	[dreg:$0x2] =	wrdreg s4  }
0xaf: {  	[dreg:$0x3] =	wrdreg s6  }
0xb0: {  	[dreg:$0x4] =	wrdreg $0xC0  }
0xb1: {  	_ =	task [dreg:s8], $0x5FFFF  }
0xb2: {  	[dreg:$0x1] =	wrdreg $0xFFFFFFFF  }
0xb3: {  	[dreg:$0x0] =	wrdreg $0x60  }
0xb4: {  	[dreg:$0x2] =	wrdreg s17  }
0xb5: {  	[dreg:$0x3] =	wrdreg s24  }
0xb6: {  	[dreg:$0x4] =	wrdreg s16  }
0xb7: {  	[dreg:$0x5] =	wrdreg $0x51800  }
0xb8: {  	[dreg:$0x6] =	wrdreg $0x9  }
0xb9: {  	_ =	task.clear_ibuf [dreg:s8], $0x7FFFF;
	_ =	strace $0x90000049  }
0xba: {  	s29 =	simm.s32 $0x9;
	_ =	strace $0x8000004B  }
0xbb: {  	_ =	swait.ge [sflag:s29], $0x1  }
0xbc: {  	[sflag:s29] =	ssyncadd.s32 $0xFFFFFFFF  }
0xbd: {  	_ =	strace $0x9000004B  }
0xbe: {  	_ =	sfence  }
0xbf: {  	s30 =	sld [smem:$0x0];
	_ =	sdelay $0x2  }
0xc0: {  	s31 =	sshll.u32 s1, $0xD;
	s1 =	sshrl.u32 s1, $0x2  }
0xc1: {  	s3 =	sand.u32 $0x4000, s31;
	s1 =	sadd.s32 s1, s30  }
0xc2: {  	s0 =	sor.u32 s3, s0;
	s1 =	sshll.u32 s1, $0x11  }
0xc3: {  	s0 =	sor.u32 s1, s0  }
0xc4: {  	s0 =	sadd.s32 $0x8F2B, s0  }
0xc5: {  	[sflag:s0] =	ssyncadd.remote.s32 $0x1  }
0xc6: {  	_ =	sfence.sel $0xFFFF  }
0xc7: {  	[dreg:$0x0] =	wrdreg $0xFFFFFFFF;
	(pc) =	sbr.abs _section_cstart, $3  }
0xc8: {  	[dreg:$0x1] =	wrdreg $0xFFFFFFFF  }
0xc9: {  	_ =	task.clear_ibuf [dreg:s8], $0x2FFFF;
	_ =	strace $0x9FFFFFFF  }
0xca: {  	(tm) =	ssettm $0x7FFFFFFF  }
0xcb: {  	_ =	shalt  }
tec
execute0_lowered:
.L_overlay_start_1:
0x0: {  	(tag) =	ssettag $0x1  }
0x1: {  	s1 =	rddreg [dreg:$0x0]  }
0x2: {  	s5 =	rddreg [dreg:$0x1]  }
0x3: {  	s6 =	rddreg [dreg:$0x2]  }
0x4: {  	s3 =	rddreg [dreg:$0x3];
	s4 =	srdreg.scid  }
0x5: {  	s2 =	stileid.u32;
	s0 =	rddreg [dreg:$0x4];
	s13 =	simm.s32 $0x2800  }
0x6: {  	s14 =	simm.s32 $0x80;
	s15 =	simm.s32 $0x5000;
	s16 =	simm.s32 $0x1  }
0x7: {  	s17 =	simm.s32 $0x5100;
	s18 =	simm.s32 $0x5080;
	s19 =	simm.s32 $0x0  }
0x8: {  	s7 =	sand.u32 $0x1, s4;
	s8 =	smul.u32 $0x1400, s2;
	s4 =	simm.s32 $0x0  }
0x9: {  	s31 =	sshll.u32 s2, $0x6;
	s9 =	sshll.u32 s7, $0x4;
	s10 =	smul.u32 $0x14000, s7  }
0xa: {  	[smem:$0x7FF] =	sst s4;
	s7 =	ssub.s32 $0x2, s7;
	s9 =	sor.u32 s2, s9  }
0xb: {  	_ =	strace $0x8000004A;
	s11 =	sshrl.u32 s7, $0x1;
	s9 =	smul.u32 $0x500, s9  }
0xc: {  	s12 =	sadd.s32 s8, s3;
	s30 =	sshrl.u32 s8, $0x3;
	s10 =	sadd.s32 s8, s10  }
0xd: {  	s11 =	ssub.s32 s7, s11;
	s10 =	sshrl.u32 s10, $0x3;
	s9 =	sadd.s32 s9, s5  }
0xe: {  	s10 =	sadd.s32 s10, s5;
	s5 =	sadd.s32 s6, s30;
	s6 =	sor.u32 $0x1C02, s31  }
0xf: {  	s7 =	sadd.s32 $0x33A00, s9;
	s8 =	sadd.s32 $0x2800, s9;
	s9 =	sadd.s32 $0x8DA00, s10  }
0x10: {  	s10 =	smax.u32 s11, $0x1;
	s11 =	sshrl.u32 s12, $0x3;
	s12 =	simm.s32 $0x2  }
.LBB2_1:
0x11: {  	[spmem:s11], [sflag:s6] =	dma.local [hbm:s5], $0x280  }
0x12: {  	_ =	swait.ge [sflag:s12], $0x280  }
0x13: {  	[sflag:s12] =	ssyncset.done $0x0  }
0x14: {  	[sflag:s12] =	ssyncadd.s32 $0xFFFFFD80  }
0x15: {  	[tilespmem:s4], [sflag:$0x2] =	stream.linear.gather [hbm4b:s7+s4], $0x2780, $0x38;
	[tilespmem:$0x6580] =	vst v63  }
0x16: {  	_ =	swait.ge [sflag:s12], $0x2780  }
0x17: {  	[sflag:s12] =	ssyncset.done $0x0  }
0x18: {  	[sflag:s12] =	ssyncadd.s32 $0xFFFFD880  }
0x19: {  	[tilespmem:s13], [sflag:$0x2] =	stream.linear.gather [hbm4b:s8+s4], $0x2780, $0x38;
	[tilespmem:$0x6580] =	vst v63  }
0x1a: {  	_ =	swait.ge [sflag:s12], $0x2780  }
0x1b: {  	[sflag:s12] =	ssyncset.done $0x0  }
0x1c: {  	[sflag:s12] =	ssyncadd.s32 $0xFFFFD880  }
0x1d: {  	s20 =	simm.s32 $0x0;
	[bflag:$0x0] =	sbarrier.arrive $0xFFFF  }
0x1e: {  	[tilespmem:s15], [sflag:$0x1] =	stream.indirect.gather [hbm4b:s1+s14], $0x1, s20, s14, $0xb8;
	[tilespmem:$0x6580] =	vst v63  }
0x1f: {  	_ =	swait.ge [sflag:s16], $0x80  }
0x20: {  	[sflag:s16] =	ssyncset.done $0x0  }
0x21: {  	[sflag:s16] =	ssyncadd.s32 $0xFFFFFF80  }
0x22: {  	v0 =	vld [tilespmem:$0x5000];
	_ =	sdelay $0x4  }
0x23: {  	v1 =	vmul.f32 $2.500000000e-01, v0;
	_ =	sdelay $0x1  }
0x24: {  	v2 =	vld [tilespmem:$0x5010];
	v1 =	vtrunc.f32 v1  }
0x25: {  	v1 =	vcvt.f32.s32 v1;
	_ =	sdelay $0x1  }
0x26: {  	v3 =	vshll.u32 v1, $0x2  }
0x27: {  	v3 =	vcvt.s32.f32 v3  }
0x28: {  	v4 =	vmul.f32 $2.500000000e-01, v2  }
0x29: {  	v0 =	vsub.f32 v0, v3  }
0x2a: {  	v36 =	vtrunc.f32 v4  }
0x2b: {  	v37 =	vld [tilespmem:$0x5020];
	v38 =	vcvt.f32.s32 v36;
	[tilespmem:$0x5080] =	vst v0  }
0x2c: {  	v39 =	vld [tilespmem:s20+$0x2800]  }
0x2d: {  	v5 =	vshll.u32 v38, $0x2  }
0x2e: {  	v5 =	vcvt.s32.f32 v5;
	_ =	sdelay $0x1  }
0x2f: {  	v6 =	vmul.f32 $2.500000000e-01, v37;
	v2 =	vsub.f32 v2, v5  }
0x30: {  	v3 =	vshll.u32 v39, $0x3  }
0x31: {  	v40 =	vtrunc.f32 v6;
	[tilespmem:$0x5090] =	vst v2;
	v1 =	vadd.s32 v1, v3  }
0x32: {  	v41 =	vld [tilespmem:$0x5030];
	v42 =	vcvt.f32.s32 v40;
	[tilespmem:$0x5100] =	vst v1  }
0x33: {  	v43 =	vld [tilespmem:s20+$0x2810]  }
0x34: {  	v5 =	vshll.u32 v42, $0x2  }
0x35: {  	v5 =	vcvt.s32.f32 v5;
	_ =	sdelay $0x1  }
0x36: {  	v44 =	vmul.f32 $2.500000000e-01, v41;
	v4 =	vsub.f32 v37, v5  }
0x37: {  	v3 =	vshll.u32 v43, $0x3  }
0x38: {  	v45 =	vtrunc.f32 v44;
	[tilespmem:$0x50A0] =	vst v4;
	v0 =	vadd.s32 v38, v3  }
0x39: {  	v46 =	vld [tilespmem:$0x5040];
	v47 =	vcvt.f32.s32 v45;
	[tilespmem:$0x5110] =	vst v0  }
0x3a: {  	v4 =	vld [tilespmem:s20+$0x2820]  }
0x3b: {  	v5 =	vshll.u32 v47, $0x2  }
0x3c: {  	v5 =	vcvt.s32.f32 v5;
	_ =	sdelay $0x1  }
0x3d: {  	v48 =	vmul.f32 $2.500000000e-01, v46;
	v2 =	vsub.f32 v41, v5  }
0x3e: {  	v4 =	vshll.u32 v4, $0x3  }
0x3f: {  	v49 =	vtrunc.f32 v48;
	[tilespmem:$0x50B0] =	vst v2;
	v1 =	vadd.s32 v42, v4  }
0x40: {  	v50 =	vld [tilespmem:$0x5050];
	v51 =	vcvt.f32.s32 v49;
	[tilespmem:$0x5120] =	vst v1  }
0x41: {  	v1 =	vld [tilespmem:s20+$0x2830]  }
0x42: {  	v5 =	vshll.u32 v51, $0x2  }
0x43: {  	v5 =	vcvt.s32.f32 v5;
	_ =	sdelay $0x1  }
0x44: {  	v52 =	vmul.f32 $2.500000000e-01, v50;
	v3 =	vsub.f32 v46, v5  }
0x45: {  	v1 =	vshll.u32 v1, $0x3  }
0x46: {  	v53 =	vtrunc.f32 v52;
	[tilespmem:$0x50C0] =	vst v3;
	v0 =	vadd.s32 v47, v1  }
0x47: {  	v54 =	vld [tilespmem:$0x5060];
	v55 =	vcvt.f32.s32 v53;
	[tilespmem:$0x5130] =	vst v0  }
0x48: {  	v0 =	vld [tilespmem:s20+$0x2840]  }
0x49: {  	v5 =	vshll.u32 v55, $0x2  }
0x4a: {  	v5 =	vcvt.s32.f32 v5;
	_ =	sdelay $0x1  }
0x4b: {  	v56 =	vmul.f32 $2.500000000e-01, v54;
	v2 =	vsub.f32 v50, v5  }
0x4c: {  	v0 =	vshll.u32 v0, $0x3  }
0x4d: {  	v57 =	vtrunc.f32 v56;
	[tilespmem:$0x50D0] =	vst v2;
	v0 =	vadd.s32 v51, v0  }
0x4e: {  	v58 =	vld [tilespmem:$0x5070];
	v59 =	vcvt.f32.s32 v57;
	[tilespmem:$0x5140] =	vst v0  }
0x4f: {  	v0 =	vld [tilespmem:s20+$0x2850]  }
0x50: {  	v5 =	vshll.u32 v59, $0x2  }
0x51: {  	v5 =	vcvt.s32.f32 v5;
	_ =	sdelay $0x1  }
0x52: {  	v60 =	vmul.f32 $2.500000000e-01, v58;
	v1 =	vsub.f32 v54, v5  }
0x53: {  	v0 =	vshll.u32 v0, $0x3  }
0x54: {  	v61 =	vtrunc.f32 v60;
	[tilespmem:$0x50E0] =	vst v1;
	v0 =	vadd.s32 v55, v0  }
0x55: {  	v62 =	vcvt.f32.s32 v61;
	[tilespmem:$0x5150] =	vst v0  }
0x56: {  	v0 =	vld [tilespmem:s20+$0x2860]  }
0x57: {  	v63 =	vshll.u32 v62, $0x2  }
0x58: {  	v3 =	vcvt.s32.f32 v63;
	_ =	sdelay $0x1  }
0x59: {  	v2 =	vsub.f32 v58, v3  }
0x5a: {  	v0 =	vshll.u32 v0, $0x3  }
0x5b: {  	[tilespmem:$0x50F0] =	vst v2;
	v0 =	vadd.s32 v59, v0  }
0x5c: {  	[tilespmem:$0x5160] =	vst v0  }
0x5d: {  	v0 =	vld [tilespmem:s20+$0x2870];
	_ =	sdelay $0x4  }
0x5e: {  	v0 =	vshll.u32 v0, $0x3  }
0x5f: {  	v0 =	vadd.s32 v62, v0  }
0x60: {  	[tilespmem:$0x5170] =	vst v0  }
0x61: {  	[spmem:s3] =	stream.indirect.scatter.add.f32 [tilespmem:s18], [sflag:$0x2], $0x1, s17, s14, $0xb8;
	[tilespmem:$0x6580] =	vst v63  }
0x62: {  	_ =	swait.ge [sflag:s12], $0x80  }
0x63: {  	s23 =	simm.s32 $0x400;
	s20 =	simm.s32 $0x200;
	[sflag:s12] =	ssyncset.done $0x0  }
.LBB2_2:
0x64: {  	s22 =	sshra.s32 s20, $0x2  }
0x65: {  	[sflag:s12] =	ssyncadd.s32 $0xFFFFFF80;
	s20 =	smov.u32 s23;
	s21 =	sadd.s32 $0x200, s23  }
0x66: {  	[tilespmem:s15], [sflag:$0x1] =	stream.indirect.gather [hbm4b:s1+s14], $0x1, s22, s14, $0xb8;
	[tilespmem:$0x6580] =	vst v63  }
0x67: {  	p0 =	sne.s32 s23, $0x9C00;
	_ =	swait.ge [sflag:s16], $0x80  }
0x68: {  	[sflag:s16] =	ssyncset.done $0x0  }
0x69: {  	[sflag:s16] =	ssyncadd.s32 $0xFFFFFF80  }
0x6a: {  	v1 =	vld [tilespmem:$0x5000]  }
0x6b: {  	v2 =	vld [tilespmem:$0x5010]  }
0x6c: {  	v3 =	vld [tilespmem:$0x5020]  }
0x6d: {  	v4 =	vld [tilespmem:$0x5030]  }
0x6e: {  	v5 =	vld [tilespmem:$0x5040]  }
0x6f: {  	v0 =	vmul.f32 $2.500000000e-01, v1;
	v6 =	vld [tilespmem:$0x5050]  }
0x70: {  	v7 =	vmul.f32 $2.500000000e-01, v2;
	v8 =	vld [tilespmem:$0x5060]  }
0x71: {  	v9 =	vtrunc.f32 v0;
	v10 =	vmul.f32 $2.500000000e-01, v3;
	v0 =	vld [tilespmem:$0x5070]  }
0x72: {  	v9 =	vcvt.f32.s32 v9;
	v7 =	vtrunc.f32 v7  }
0x73: {  	v11 =	vmul.f32 $2.500000000e-01, v4;
	v10 =	vtrunc.f32 v10  }
0x74: {  	v13 =	vmul.f32 $2.500000000e-01, v5;
	v12 =	vshll.u32 v9, $0x2;
	v14 =	vmul.f32 $2.500000000e-01, v6  }
0x75: {  	v11 =	vtrunc.f32 v11;
	v12 =	vcvt.s32.f32 v12  }
0x76: {  	v13 =	vtrunc.f32 v13;
	v14 =	vtrunc.f32 v14  }
0x77: {  	v15 =	vmul.f32 $2.500000000e-01, v0;
	v1 =	vsub.f32 v1, v12;
	v12 =	vmul.f32 $2.500000000e-01, v8;
	_ =	sdelay $0x1  }
0x78: {  	[tilespmem:$0x5080] =	vst v1;
	v1 =	vcvt.f32.s32 v7;
	v7 =	vtrunc.f32 v12  }
0x79: {  	v15 =	vtrunc.f32 v15;
	v12 =	vld [tilespmem:s22+$0x2800]  }
0x7a: {  	v16 =	vshll.u32 v1, $0x2  }
0x7b: {  	v16 =	vcvt.s32.f32 v16;
	_ =	sdelay $0x1  }
0x7c: {  	v2 =	vsub.f32 v2, v16  }
0x7d: {  	v12 =	vshll.u32 v12, $0x3  }
0x7e: {  	v9 =	vadd.s32 v9, v12;
	[tilespmem:$0x5090] =	vst v2  }
0x7f: {  	v2 =	vcvt.f32.s32 v10;
	[tilespmem:$0x5100] =	vst v9  }
0x80: {  	v9 =	vld [tilespmem:s22+$0x2810]  }
0x81: {  	v10 =	vshll.u32 v2, $0x2  }
0x82: {  	v10 =	vcvt.s32.f32 v10;
	_ =	sdelay $0x1  }
0x83: {  	v3 =	vsub.f32 v3, v10  }
0x84: {  	v9 =	vshll.u32 v9, $0x3  }
0x85: {  	v1 =	vadd.s32 v1, v9;
	[tilespmem:$0x50A0] =	vst v3  }
0x86: {  	[tilespmem:$0x5110] =	vst v1;
	v1 =	vcvt.f32.s32 v11  }
0x87: {  	v3 =	vld [tilespmem:s22+$0x2820]  }
0x88: {  	v9 =	vshll.u32 v1, $0x2  }
0x89: {  	v10 =	vcvt.f32.s32 v13;
	v9 =	vcvt.s32.f32 v9;
	_ =	sdelay $0x1  }
0x8a: {  	v4 =	vsub.f32 v4, v9;
	v9 =	vshll.u32 v10, $0x2  }
0x8b: {  	v3 =	vshll.u32 v3, $0x3;
	v9 =	vcvt.s32.f32 v9  }
0x8c: {  	v2 =	vadd.s32 v2, v3;
	[tilespmem:$0x50B0] =	vst v4  }
0x8d: {  	[tilespmem:$0x5120] =	vst v2;
	v2 =	vsub.f32 v5, v9  }
0x8e: {  	v3 =	vld [tilespmem:s22+$0x2830]  }
0x8f: {  	[tilespmem:$0x50C0] =	vst v2  }
0x90: {  	v2 =	vcvt.f32.s32 v14;
	_ =	sdelay $0x1  }
0x91: {  	v4 =	vshll.u32 v2, $0x2  }
0x92: {  	v4 =	vcvt.s32.f32 v4;
	v3 =	vshll.u32 v3, $0x3  }
0x93: {  	v1 =	vadd.s32 v1, v3  }
0x94: {  	[tilespmem:$0x5130] =	vst v1;
	v1 =	vsub.f32 v6, v4  }
0x95: {  	v3 =	vld [tilespmem:s22+$0x2840]  }
0x96: {  	[tilespmem:$0x50D0] =	vst v1  }
0x97: {  	v1 =	vcvt.f32.s32 v7;
	_ =	sdelay $0x1  }
0x98: {  	v4 =	vshll.u32 v1, $0x2  }
0x99: {  	v4 =	vcvt.s32.f32 v4;
	v3 =	vshll.u32 v3, $0x3  }
0x9a: {  	v3 =	vadd.s32 v10, v3  }
0x9b: {  	[tilespmem:$0x5140] =	vst v3;
	v3 =	vsub.f32 v8, v4  }
0x9c: {  	v4 =	vld [tilespmem:s22+$0x2850]  }
0x9d: {  	[tilespmem:$0x50E0] =	vst v3  }
0x9e: {  	v3 =	vcvt.f32.s32 v15;
	_ =	sdelay $0x1  }
0x9f: {  	v5 =	vshll.u32 v3, $0x2  }
0xa0: {  	v5 =	vcvt.s32.f32 v5;
	v4 =	vshll.u32 v4, $0x3  }
0xa1: {  	v2 =	vadd.s32 v2, v4  }
0xa2: {  	v0 =	vsub.f32 v0, v5;
	[tilespmem:$0x5150] =	vst v2  }
0xa3: {  	v2 =	vld [tilespmem:s22+$0x2860]  }
0xa4: {  	[tilespmem:$0x50F0] =	vst v0;
	_ =	sdelay $0x3  }
0xa5: {  	v0 =	vshll.u32 v2, $0x3  }
0xa6: {  	v0 =	vadd.s32 v1, v0  }
0xa7: {  	[tilespmem:$0x5160] =	vst v0  }
0xa8: {  	v0 =	vld [tilespmem:s22+$0x2870];
	_ =	sdelay $0x4  }
0xa9: {  	v0 =	vshll.u32 v0, $0x3  }
.Ltmp0:
0xaa: {  	v0 =	vadd.s32 v3, v0;
	(pc) =	sbr.rel @p0 .LBB2_2-.Ltmp0, $4  }
0xab: {  	[tilespmem:$0x5170] =	vst v0  }
0xac: {  	[spmem:s3] =	stream.indirect.scatter.add.f32 [tilespmem:s18], [sflag:$0x2], $0x1, s17, s14, $0xb8;
	[tilespmem:$0x6580] =	vst v63  }
0xad: {  	_ =	swait.ge [sflag:s12], $0x80  }
0xae: {  	s23 =	smov.u32 s21;
	[sflag:s12] =	ssyncset.done $0x0  }
0xaf: {  	s20 =	sshra.s32 s20, $0x2;
	[sflag:s12] =	ssyncadd.s32 $0xFFFFFF80  }
0xb0: {  	[tilespmem:s15], [sflag:$0x1] =	stream.indirect.gather [hbm4b:s1+s14], $0x1, s20, s14, $0xb8;
	[tilespmem:$0x6580] =	vst v63  }
0xb1: {  	_ =	swait.ge [sflag:s16], $0x80  }
0xb2: {  	[sflag:s16] =	ssyncset.done $0x0  }
0xb3: {  	[sflag:s16] =	ssyncadd.s32 $0xFFFFFF80  }
0xb4: {  	v0 =	vld [tilespmem:$0x5000];
	_ =	sdelay $0x4  }
0xb5: {  	v1 =	vmul.f32 $2.500000000e-01, v0;
	_ =	sdelay $0x1  }
0xb6: {  	v2 =	vld [tilespmem:$0x5010];
	v1 =	vtrunc.f32 v1  }
0xb7: {  	v1 =	vcvt.f32.s32 v1;
	_ =	sdelay $0x1  }
0xb8: {  	v3 =	vshll.u32 v1, $0x2  }
0xb9: {  	v3 =	vcvt.s32.f32 v3  }
0xba: {  	v4 =	vmul.f32 $2.500000000e-01, v2  }
0xbb: {  	v0 =	vsub.f32 v0, v3  }
0xbc: {  	v36 =	vtrunc.f32 v4  }
0xbd: {  	v37 =	vld [tilespmem:$0x5020];
	v38 =	vcvt.f32.s32 v36;
	[tilespmem:$0x5080] =	vst v0  }
0xbe: {  	v39 =	vld [tilespmem:s20+$0x2800]  }
0xbf: {  	v5 =	vshll.u32 v38, $0x2  }
0xc0: {  	v5 =	vcvt.s32.f32 v5;
	_ =	sdelay $0x1  }
0xc1: {  	v6 =	vmul.f32 $2.500000000e-01, v37;
	v2 =	vsub.f32 v2, v5  }
0xc2: {  	v3 =	vshll.u32 v39, $0x3  }
0xc3: {  	v40 =	vtrunc.f32 v6;
	[tilespmem:$0x5090] =	vst v2;
	v1 =	vadd.s32 v1, v3  }
0xc4: {  	v41 =	vld [tilespmem:$0x5030];
	v42 =	vcvt.f32.s32 v40;
	[tilespmem:$0x5100] =	vst v1  }
0xc5: {  	v43 =	vld [tilespmem:s20+$0x2810]  }
0xc6: {  	v5 =	vshll.u32 v42, $0x2  }
0xc7: {  	v5 =	vcvt.s32.f32 v5;
	_ =	sdelay $0x1  }
0xc8: {  	v44 =	vmul.f32 $2.500000000e-01, v41;
	v4 =	vsub.f32 v37, v5  }
0xc9: {  	v3 =	vshll.u32 v43, $0x3  }
0xca: {  	v45 =	vtrunc.f32 v44;
	[tilespmem:$0x50A0] =	vst v4;
	v0 =	vadd.s32 v38, v3  }
0xcb: {  	v46 =	vld [tilespmem:$0x5040];
	v47 =	vcvt.f32.s32 v45;
	[tilespmem:$0x5110] =	vst v0  }
0xcc: {  	v4 =	vld [tilespmem:s20+$0x2820]  }
0xcd: {  	v5 =	vshll.u32 v47, $0x2  }
0xce: {  	v5 =	vcvt.s32.f32 v5;
	_ =	sdelay $0x1  }
0xcf: {  	v48 =	vmul.f32 $2.500000000e-01, v46;
	v2 =	vsub.f32 v41, v5  }
0xd0: {  	v4 =	vshll.u32 v4, $0x3  }
0xd1: {  	v49 =	vtrunc.f32 v48;
	[tilespmem:$0x50B0] =	vst v2;
	v1 =	vadd.s32 v42, v4  }
0xd2: {  	v50 =	vld [tilespmem:$0x5050];
	v51 =	vcvt.f32.s32 v49;
	[tilespmem:$0x5120] =	vst v1  }
0xd3: {  	v1 =	vld [tilespmem:s20+$0x2830]  }
0xd4: {  	v5 =	vshll.u32 v51, $0x2  }
0xd5: {  	v5 =	vcvt.s32.f32 v5;
	_ =	sdelay $0x1  }
0xd6: {  	v52 =	vmul.f32 $2.500000000e-01, v50;
	v3 =	vsub.f32 v46, v5  }
0xd7: {  	v1 =	vshll.u32 v1, $0x3  }
0xd8: {  	v53 =	vtrunc.f32 v52;
	[tilespmem:$0x50C0] =	vst v3;
	v0 =	vadd.s32 v47, v1  }
0xd9: {  	v54 =	vld [tilespmem:$0x5060];
	v55 =	vcvt.f32.s32 v53;
	[tilespmem:$0x5130] =	vst v0  }
0xda: {  	v0 =	vld [tilespmem:s20+$0x2840]  }
0xdb: {  	v5 =	vshll.u32 v55, $0x2  }
0xdc: {  	v5 =	vcvt.s32.f32 v5;
	_ =	sdelay $0x1  }
0xdd: {  	v56 =	vmul.f32 $2.500000000e-01, v54;
	v2 =	vsub.f32 v50, v5  }
0xde: {  	v0 =	vshll.u32 v0, $0x3  }
0xdf: {  	v57 =	vtrunc.f32 v56;
	[tilespmem:$0x50D0] =	vst v2;
	v0 =	vadd.s32 v51, v0  }
0xe0: {  	v58 =	vld [tilespmem:$0x5070];
	v59 =	vcvt.f32.s32 v57;
	[tilespmem:$0x5140] =	vst v0  }
0xe1: {  	v0 =	vld [tilespmem:s20+$0x2850]  }
0xe2: {  	v5 =	vshll.u32 v59, $0x2  }
0xe3: {  	v5 =	vcvt.s32.f32 v5;
	_ =	sdelay $0x1  }
0xe4: {  	v60 =	vmul.f32 $2.500000000e-01, v58;
	v1 =	vsub.f32 v54, v5  }
0xe5: {  	v0 =	vshll.u32 v0, $0x3  }
0xe6: {  	v61 =	vtrunc.f32 v60;
	[tilespmem:$0x50E0] =	vst v1;
	v0 =	vadd.s32 v55, v0  }
0xe7: {  	v62 =	vcvt.f32.s32 v61;
	[tilespmem:$0x5150] =	vst v0  }
0xe8: {  	v0 =	vld [tilespmem:s20+$0x2860]  }
0xe9: {  	v63 =	vshll.u32 v62, $0x2  }
0xea: {  	v3 =	vcvt.s32.f32 v63;
	_ =	sdelay $0x1  }
0xeb: {  	v2 =	vsub.f32 v58, v3  }
0xec: {  	v0 =	vshll.u32 v0, $0x3  }
0xed: {  	[tilespmem:$0x50F0] =	vst v2;
	v0 =	vadd.s32 v59, v0  }
0xee: {  	[tilespmem:$0x5160] =	vst v0  }
0xef: {  	v0 =	vld [tilespmem:s20+$0x2870];
	_ =	sdelay $0x4  }
0xf0: {  	v0 =	vshll.u32 v0, $0x3  }
0xf1: {  	v0 =	vadd.s32 v62, v0  }
0xf2: {  	[tilespmem:$0x5170] =	vst v0  }
0xf3: {  	[spmem:s3] =	stream.indirect.scatter.add.f32 [tilespmem:s18], [sflag:$0x2], $0x1, s17, s14, $0xb8;
	[tilespmem:$0x6580] =	vst v63  }
0xf4: {  	_ =	swait.ge [sflag:s12], $0x80  }
0xf5: {  	s19 =	sadd.s32 $0x1, s19;
	[sflag:s12] =	ssyncset.done $0x0  }
0xf6: {  	p0 =	sne.s32 s19, s10;
	[sflag:s12] =	ssyncadd.s32 $0xFFFFFF80  }
.Ltmp1:
0xf7: {  	[bflag:$0x0] =	sbarrier.arrive $0xFFFF;
	(pc) =	sbr.rel @p0 .LBB2_1-.Ltmp1, $4  }
0xf8: {  	[hbm:s9], [sflag:s6] =	dma.local [spmem:s11], $0x280  }
0xf9: {  	_ =	swait.ge [sflag:s12], $0x280  }
0xfa: {  	[sflag:s12] =	ssyncset.done $0x0  }
0xfb: {  	[sflag:s12] =	ssyncadd.s32 $0xFFFFFD80  }
0xfc: {  	_ =	sfence.sel $0x180000  }
0xfd: {  	[bflag:$0x0] =	sbarrier.arrive $0xFFFF  }
0xfe: {  	p0 =	sne.s32 s2, $0x0;
	_ =	strace $0x9000004A  }
0xff: {  	s0 =	sadd.s32 @!p0 $0x100000, s0;
	[bflag:$0x2] =	sbarrier.arrive $0xFFFF  }
0x100: {  	[sflag:s0] =	ssyncadd.tile.s32 @!p0 $0x1;
	_ =	shalt  }
.Lfunc_end2:
_tile_overlayer_lowered:
.L_overlay_start_2:
0x101: {  	(tag) =	ssettag $0x2  }
0x102: {  	s0 =	rddreg [dreg:$0x0];
	s2 =	stileid.u32  }
0x103: {  	s1 =	rddreg [dreg:$0x1];
	p0 =	sne.s32 s2, $0x0  }
0x104: {  	s3 =	rddreg [dreg:$0x2];
	[bflag:$0x3] =	sbarrier.arrive $0xFFFF;
	s2 =	simm.s32 @!p0 $0x1C02  }
0x105: {  	[timem:s3], [sflag:s2] =	dma.local @!p0 [hbm:s0], s1  }
0x106: {  	s0 =	simm.s32 @!p0 $0x2  }
0x107: {  	_ =	swait.ge @!p0 [sflag:s0], s1  }
0x108: {  	s1 =	ssub.s32 @!p0 $0x0, s1;
	[sflag:s0] =	ssyncset.done @!p0 $0x0  }
0x109: {  	[sflag:s0] =	ssyncadd.s32 @!p0 s1  }
0x10a: {  	[bflag:$0x3] =	sbarrier.arrive $0xFFFF  }
0x10b: {  	_ =	shalt  }

// kernel: kernel.16.cloned.1.call-start
scs
__scs_entry_jumppad:
0x0: {  	(pc) =	sbr.rel $0x88, $3  }
0x1: {  	(tag) =	ssettag $0x0;
	lr =	simm.s32 $0x1  }
0x2: {  	[smem:$0x3F93] =	sst lr;
	_ =	strace $0xD0000000  }
0x3: {  	_ = 	snop  }
0x4: {  	_ = 	snop  }
0x5: {  	_ = 	snop  }
0x6: {  	_ = 	snop  }
0x7: {  	_ = 	snop  }
__scs_overlays_trampoline_lowered:
0x8: {  	[smem:$0x3FA2] =	sst s0  }
0x9: {  	[smem:$0x3FA3] =	sst s1  }
0xa: {  	[smem:$0x3FA4] =	sst s2  }
0xb: {  	[smem:$0x3FA5] =	sst s3  }
0xc: {  	[smem:$0x3FA6] =	sst s4  }
0xd: {  	[smem:$0x3FA7] =	sst s5  }
0xe: {  	[smem:$0x3FA8] =	sst s6  }
0xf: {  	[smem:$0x3FA9] =	sst s7  }
0x10: {  	[smem:$0x3FAA] =	sst s8  }
0x11: {  	[smem:$0x3FAB] =	sst s9;
	s0 =	simm.s32 @!p0 $0x0  }
0x12: {  	s1 =	sld [smem:$0x3F91];
	s0 =	simm.s32 @p0 $0x1  }
0x13: {  	[smem:$0x3FAC] =	sst s0;
	s0 =	simm.s32 @!p1 $0x0  }
0x14: {  	s2 =	sld [smem:$0x3F90];
	s0 =	simm.s32 @p1 $0x1  }
0x15: {  	[smem:$0x3FAD] =	sst s0;
	s0 =	simm.s32 @!p2 $0x0  }
0x16: {  	s3 =	sld [smem:$0x3FDB];
	s0 =	simm.s32 @p2 $0x1  }
0x17: {  	s4 =	simm.s32 $0x1BF5;
	[smem:$0x3FAF] =	sst s0  }
0x18: {  	s0 =	sld [smem:$0x3F92];
	_ =	swait.ge [sflag:s4], $0x0  }
0x19: {  	s7 =	sld [smem:$0x3F93]  }
0x1a: {  	s8 =	sadd.s32 $0xFFFFE003, lr  }
0x1b: {  	s9 =	sadd.s32 $0xFFFFFEF7, lr;
	s5 =	simm.s32 $0xFFFFFFFF;
	p2 =	slt.u32 s8, $0xFFFFF086  }
0x1c: {  	p1 =	slt.u32 s9, $0xF7A;
	s5 =	simm.s32 @!p2 $0x0  }
0x1d: {  	s5 =	simm.s32 @p1 $0x1;
	p0 =	seq.s32 s7, s2  }
0x1e: {  	s7 =	smul.u32 @!p0 $0xF7A, s2;
	p2 =	seq.s32 @!p0 s5, $0x0  }
0x1f: {  	s9 =	smul.u32 $0xF7A, s1;
	s8 =	simm.s32 @!p0 $0x1BF5;
	p2 =	por !p2, p0  }
0x20: {  	[sflag:s8] =	ssyncset.s32 @!p0 $0xFFFFF086;
	s6 =	sadd.s32 @!p0 s3, s7;
	s7 =	simm.s32 @!p0 $0x108  }
0x21: {  	s3 =	sadd.s32 s3, s9;
	s6 =	sadd.s32 @!p0 $0x88, s6;
	s7 =	simm.s32 @p2 $0x1082  }
0x22: {  	[simem:s7], [sflag:s8] =	dma.local @!p0 [hbm:s6], $0xF7A  }
0x23: {  	s9 =	sor.u32 $0xD0000000, s2;
	s6 =	simm.s32 $0x108;
	_ =	swait.ge @!p0 [sflag:s8], $0x0  }
0x24: {  	s3 =	sadd.s32 $0x88, s3;
	s6 =	simm.s32 @!p1 $0x1082;
	[sflag:s4] =	ssyncset.s32 $0xFFFFF086  }
0x25: {  	[simem:s6], [sflag:s4] =	dma.local [hbm:s3], $0xF7A  }
0x26: {  	[smem:$0x3F93] =	sst s1;
	(tag) =	ssettag s2;
	_ =	strace s9  }
0x27: {  	s1 =	sld [smem:$0x3FA3]  }
0x28: {  	s2 =	sld [smem:$0x3FA4]  }
0x29: {  	s4 =	sld [smem:$0x3FA6]  }
0x2a: {  	p0 =	seq.s32 s5, $0x0;
	s5 =	sld [smem:$0x3FA7]  }
0x2b: {  	s6 =	sld [smem:$0x3FA8]  }
0x2c: {  	s7 =	sld [smem:$0x3FA9]  }
0x2d: {  	s3 =	simm.s32 $0x108;
	s8 =	sld [smem:$0x3FAA]  }
0x2e: {  	s3 =	simm.s32 @!p0 $0x1082;
	s9 =	sld [smem:$0x3FAB]  }
0x2f: {  	lr =	sadd.s32 s0, s3;
	s0 =	sld [smem:$0x3FA2]  }
0x30: {  	s3 =	sld [smem:$0x3FA5]  }
0x31: {  	[smem:$0x3FAE] =	sst s10  }
0x32: {  	s10 =	sld [smem:$0x3FAC];
	_ =	sdelay $0x3  }
0x33: {  	p0 =	seq.s32 s10, $0x1;
	s10 =	sld [smem:$0x3FAE];
	_ =	sdelay $0x3  }
0x34: {  	[smem:$0x3FAE] =	sst s10  }
0x35: {  	s10 =	sld [smem:$0x3FAD];
	_ =	sdelay $0x3  }
0x36: {  	p1 =	seq.s32 s10, $0x1;
	s10 =	sld [smem:$0x3FAE];
	_ =	sdelay $0x3  }
0x37: {  	[smem:$0x3FAE] =	sst s10  }
0x38: {  	s10 =	sld [smem:$0x3FAF]  }
0x39: {  	_ = 	snop;
	(pc) =	sbr.ind lr, $3  }
0x3a: {  	_ = 	snop  }
0x3b: {  	_ = 	snop  }
0x3c: {  	p2 =	seq.s32 s10, $0x1;
	s10 =	sld [smem:$0x3FAE]  }
0x3d: {  	_ =	shalt  }
0x3e: {  	_ =	shalt  }
0x3f: {  	_ =	shalt  }
0x40: {  	_ =	shalt  }
0x41: {  	_ =	shalt  }
0x42: {  	_ =	shalt  }
0x43: {  	_ =	shalt  }
0x44: {  	_ =	shalt  }
0x45: {  	_ =	shalt  }
0x46: {  	_ =	shalt  }
0x47: {  	_ =	shalt  }
0x48: {  	_ =	shalt  }
0x49: {  	_ =	shalt  }
0x4a: {  	_ =	shalt  }
0x4b: {  	_ =	shalt  }
0x4c: {  	_ =	shalt  }
0x4d: {  	_ =	shalt  }
0x4e: {  	_ =	shalt  }
0x4f: {  	_ =	shalt  }
0x50: {  	_ =	shalt  }
0x51: {  	_ =	shalt  }
0x52: {  	_ =	shalt  }
0x53: {  	_ =	shalt  }
0x54: {  	_ =	shalt  }
0x55: {  	_ =	shalt  }
0x56: {  	_ =	shalt  }
0x57: {  	_ =	shalt  }
0x58: {  	_ =	shalt  }
0x59: {  	_ =	shalt  }
0x5a: {  	_ =	shalt  }
0x5b: {  	_ =	shalt  }
0x5c: {  	_ =	shalt  }
0x5d: {  	_ =	shalt  }
0x5e: {  	_ =	shalt  }
0x5f: {  	_ =	shalt  }
0x60: {  	_ =	shalt  }
0x61: {  	_ =	shalt  }
0x62: {  	_ =	shalt  }
0x63: {  	_ =	shalt  }
0x64: {  	_ =	shalt  }
0x65: {  	_ =	shalt  }
0x66: {  	_ =	shalt  }
0x67: {  	_ =	shalt  }
0x68: {  	_ =	shalt  }
0x69: {  	_ =	shalt  }
0x6a: {  	_ =	shalt  }
0x6b: {  	_ =	shalt  }
0x6c: {  	_ =	shalt  }
0x6d: {  	_ =	shalt  }
0x6e: {  	_ =	shalt  }
0x6f: {  	_ =	shalt  }
0x70: {  	_ =	shalt  }
0x71: {  	_ =	shalt  }
0x72: {  	_ =	shalt  }
0x73: {  	_ =	shalt  }
0x74: {  	_ =	shalt  }
0x75: {  	_ =	shalt  }
0x76: {  	_ =	shalt  }
0x77: {  	_ =	shalt  }
0x78: {  	_ =	shalt  }
0x79: {  	_ =	shalt  }
0x7a: {  	_ =	shalt  }
0x7b: {  	_ =	shalt  }
0x7c: {  	_ =	shalt  }
0x7d: {  	_ =	shalt  }
0x7e: {  	_ =	shalt  }
0x7f: {  	_ =	shalt  }
0x80: {  	_ =	shalt  }
0x81: {  	_ =	shalt  }
0x82: {  	_ =	shalt  }
0x83: {  	_ =	shalt  }
0x84: {  	_ =	shalt  }
0x85: {  	_ =	shalt  }
0x86: {  	_ =	shalt  }
0x87: {  	_ =	shalt  }
.Lfunc_end0:
.L_simem_size_0:
called_computation.2_lowered:
.L_overlay_start_0:
0x88: {  	s2 =	sld [smem:$0x3FD9]  }
0x89: {  	s3 =	sld [smem:$0x3FFE];
	_ =	sdelay $0x1  }
0x8a: {  	s1 =	srdreg.scid  }
0x8b: {  	s0 =	sand.u32 $0x1, s1  }
0x8c: {  	s16 =	sshll.u32 s0, $0xA;
	s2 =	sadd.s32 s3, s2  }
0x8d: {  	s2 =	sadd.s32 s2, s16  }
0x8e: {  	[smem:$0x3FBA] =	sst s2  }
0x8f: {  	_ = 	snop  }
0x90: {  	(tm) =	ssettm $0x1  }
0x91: {  	s17 =	sld [smem:$0x3FFB];
	_ =	sdelay $0x3  }
0x92: {  	_ =	strace s17  }
0x93: {  	s2 =	sld [smem:$0x3FFC];
	_ =	sdelay $0x3  }
0x94: {  	_ =	strace s2  }
0x95: {  	s2 =	sld [smem:$0x3FFD];
	_ =	sdelay $0x3  }
0x96: {  	_ =	strace s2  }
0x97: {  	_ =	strace $0x8FFFFFFF  }
0x98: {  	s18 =	sld [smem:$0x3FDB];
	_ =	sdelay $0x1  }
0x99: {  	s19 =	simm.s32 $_scs_section_size  }
0x9a: {  	s4 =	simm.s32 $_size__tile_overlayer_lowered;
	s5 =	simm.s32 $_tile_overlayer_lowered  }
0x9b: {  	s22 =	simm.s32 $0x1BFF;
	s21 =	sshll.u32 s5, $0x1;
	s2 =	sadd.s32 s19, s18  }
0x9c: {  	s6 =	simm.s32 $0x0;
	s20 =	sshll.u32 s4, $0x1;
	s4 =	sadd.s32 s21, s2  }
0x9d: {  	[timem:s6], [sflag:s22] =	dma.local [hbm:s4], s20  }
0x9e: {  	_ =	swait.ge [sflag:s22], s20  }
0x9f: {  	s3 =	ssub.s32 $0x0, s20;
	[sflag:s22] =	ssyncset.done $0x0  }
0xa0: {  	[sflag:s22] =	ssyncadd.s32 s3;
	_ =	sdelay $0x1  }
0xa1: {  	s23 =	simm.s32 $0x1B8B  }
0xa2: {  	_ =	swait.ge [sflag:s23], $0x1  }
0xa3: {  	[sflag:s23] =	ssyncset.done $0x0  }
0xa4: {  	s25 =	simm.s32 $0x1B8E;
	s24 =	sld [smem:$0x3FFE];
	[sflag:s23] =	ssyncadd.s32 $0xFFFFFFFF  }
0xa5: {  	s26 =	simm.s32 $execute0_lowered;
	[smem:$0x3FD2] =	sst s25  }
0xa6: {  	s4 =	sshll.u32 s26, $0x1;
	_ =	strace $0x8000004C;
	[dreg:$0x1] =	wrdreg $0xFFFFFFFF  }
0xa7: {  	s28 =	simm.s32 $_size_execute0_lowered;
	s2 =	sadd.s32 s2, s4;
	[dreg:$0x0] =	wrdreg $0x0  }
0xa8: {  	s4 =	sshll.u32 s28, $0x1;
	[dreg:$0x2] =	wrdreg s2  }
0xa9: {  	[dreg:$0x3] =	wrdreg s4  }
0xaa: {  	[dreg:$0x4] =	wrdreg $0xC0  }
0xab: {  	_ =	task [dreg:s6], $0x5FFFF  }
0xac: {  	[dreg:$0x1] =	wrdreg $0xFFFFFFFF  }
0xad: {  	[dreg:$0x0] =	wrdreg $0x60  }
0xae: {  	[dreg:$0x2] =	wrdreg s24  }
0xaf: {  	[dreg:$0x3] =	wrdreg $0x90000  }
0xb0: {  	[dreg:$0x4] =	wrdreg $0x9  }
0xb1: {  	_ =	task.clear_ibuf [dreg:s6], $0x5FFFF;
	_ =	strace $0x9000004C  }
0xb2: {  	s29 =	simm.s32 $0x9;
	_ =	strace $0x8000004E  }
0xb3: {  	_ =	swait.ge [sflag:s29], $0x1  }
0xb4: {  	[sflag:s29] =	ssyncadd.s32 $0xFFFFFFFF  }
0xb5: {  	_ =	strace $0x9000004E  }
0xb6: {  	_ =	sfence  }
0xb7: {  	s30 =	sld [smem:$0x0];
	_ =	sdelay $0x2  }
0xb8: {  	s31 =	sshll.u32 s1, $0xD;
	s1 =	sshrl.u32 s1, $0x2  }
0xb9: {  	s3 =	sand.u32 $0x4000, s31;
	s1 =	sadd.s32 s1, s30  }
0xba: {  	s0 =	sor.u32 s3, s0;
	s1 =	sshll.u32 s1, $0x11  }
0xbb: {  	s0 =	sor.u32 s1, s0  }
0xbc: {  	s0 =	sadd.s32 $0x8F2B, s0  }
0xbd: {  	[sflag:s0] =	ssyncadd.remote.s32 $0x1  }
0xbe: {  	_ =	sfence.sel $0xFFFF  }
0xbf: {  	[dreg:$0x0] =	wrdreg $0xFFFFFFFF;
	(pc) =	sbr.abs _section_cstart, $3  }
0xc0: {  	[dreg:$0x1] =	wrdreg $0xFFFFFFFF  }
0xc1: {  	_ =	task.clear_ibuf [dreg:s6], $0x2FFFF;
	_ =	strace $0x9FFFFFFF  }
0xc2: {  	(tm) =	ssettm $0x7FFFFFFF  }
0xc3: {  	_ =	shalt  }
tec
execute0_lowered:
.L_overlay_start_1:
0x0: {  	(tag) =	ssettag $0x1  }
0x1: {  	s6 =	rddreg [dreg:$0x0]  }
0x2: {  	s0 =	srdreg.scid;
	s2 =	rddreg [dreg:$0x1]  }
0x3: {  	s3 =	simm.s32 $0x0;
	s5 =	sand.u32 $0x1, s0;
	s0 =	stileid.u32  }
0x4: {  	s15 =	simm.s32 $0x5000;
	s16 =	simm.s32 $0x1;
	s8 =	smul.u32 $0x2800, s0  }
0x5: {  	s17 =	simm.s32 $0x0;
	[smem:$0x7FF] =	sst s3;
	s9 =	smul.u32 $0x28000, s5  }
0x6: {  	s1 =	sshll.u32 s5, $0x4;
	s5 =	ssub.s32 $0x2, s5;
	s28 =	smul.u32 $0x50000, s0  }
0x7: {  	s31 =	sshll.u32 s0, $0x6;
	s4 =	sor.u32 s0, s1;
	s1 =	rddreg [dreg:$0x2]  }
0x8: {  	_ =	strace $0x8000004D;
	s29 =	sshrl.u32 s5, $0x1;
	s7 =	smul.u32 $0x500, s4  }
0x9: {  	s4 =	sadd.s32 $0xC800, s6;
	s11 =	sadd.s32 s8, s6;
	s8 =	sadd.s32 s8, s9  }
0xa: {  	s13 =	ssub.s32 s5, s29;
	s30 =	sshrl.u32 s28, $0x2;
	s12 =	sadd.s32 s8, s6  }
0xb: {  	s14 =	sadd.s32 s30, s2;
	s5 =	sadd.s32 $0x8DA00, s11;
	s10 =	sadd.s32 s7, s6  }
0xc: {  	s6 =	sor.u32 $0x1C02, s31;
	s9 =	sadd.s32 $0xB5A00, s12;
	s11 =	sshrl.u32 s14, $0x3  }
0xd: {  	s12 =	simm.s32 $0x2;
	s14 =	simm.s32 $0x80;
	s7 =	sadd.s32 $0x33A00, s10  }
0xe: {  	s8 =	sadd.s32 $0x2800, s10;
	s10 =	smax.u32 s13, $0x1;
	s13 =	simm.s32 $0x2800  }
.LBB2_1:
0xf: {  	[spmem:s11], [sflag:s6] =	dma.local [hbm:s5], $0x2800  }
0x10: {  	_ =	swait.ge [sflag:s12], $0x2800  }
0x11: {  	[sflag:s12] =	ssyncset.done $0x0  }
0x12: {  	[sflag:s12] =	ssyncadd.s32 $0xFFFFD800  }
0x13: {  	[tilespmem:s3], [sflag:$0x2] =	stream.linear.gather [hbm4b:s7+s3], $0x2780, $0x38;
	[tilespmem:$0x1D000] =	vst v63  }
0x14: {  	_ =	swait.ge [sflag:s12], $0x2780  }
0x15: {  	[sflag:s12] =	ssyncset.done $0x0  }
0x16: {  	[sflag:s12] =	ssyncadd.s32 $0xFFFFD880  }
0x17: {  	[tilespmem:s13], [sflag:$0x2] =	stream.linear.gather [hbm4b:s8+s3], $0x2780, $0x38;
	[tilespmem:$0x1D000] =	vst v63  }
0x18: {  	_ =	swait.ge [sflag:s12], $0x2780  }
0x19: {  	[sflag:s12] =	ssyncset.done $0x0  }
0x1a: {  	[sflag:s12] =	ssyncadd.s32 $0xFFFFD880  }
0x1b: {  	s18 =	simm.s32 $0x0;
	[bflag:$0x0] =	sbarrier.arrive $0xFFFF  }
0x1c: {  	[tilespmem:s15], [sflag:$0x1] =	stream.indirect.gather [hbm4b:s4+s14], $0x80, s18, s14, $0xb8;
	[tilespmem:$0x1D000] =	vst v63  }
0x1d: {  	_ =	swait.ge [sflag:s16], $0x4000  }
0x1e: {  	[sflag:s16] =	ssyncset.done $0x0  }
0x1f: {  	s31 =	simm.s32 $0x2800;
	[sflag:s16] =	ssyncadd.s32 $0xFFFFC000  }
0x20: {  	[spmem:s2] =	stream.indirect.scatter.add.f32 [tilespmem:s15], [sflag:$0x2], $0x80, s31, s14, $0xb8;
	[tilespmem:$0x1D000] =	vst v63  }
0x21: {  	_ =	swait.ge [sflag:s12], $0x4000  }
0x22: {  	s19 =	simm.s32 $0x400;
	s18 =	simm.s32 $0x200;
	[sflag:s12] =	ssyncset.done $0x0  }
.LBB2_2:
0x23: {  	s20 =	sshra.s32 s18, $0x2  }
0x24: {  	[sflag:s12] =	ssyncadd.s32 $0xFFFFC000;
	s18 =	smov.u32 s19;
	s21 =	sadd.s32 $0x200, s19  }
0x25: {  	[tilespmem:s15], [sflag:$0x1] =	stream.indirect.gather [hbm4b:s4+s14], $0x80, s20, s14, $0xb8;
	[tilespmem:$0x1D000] =	vst v63  }
0x26: {  	p0 =	sne.s32 s19, $0x9C00;
	_ =	swait.ge [sflag:s16], $0x4000  }
.Ltmp0:
0x27: {  	[sflag:s16] =	ssyncset.done $0x0;
	(pc) =	sbr.rel @p0 .LBB2_2-.Ltmp0, $4  }
0x28: {  	s19 =	sadd.s32 $0x2800, s20;
	[sflag:s16] =	ssyncadd.s32 $0xFFFFC000  }
0x29: {  	[spmem:s2] =	stream.indirect.scatter.add.f32 [tilespmem:s15], [sflag:$0x2], $0x80, s19, s14, $0xb8;
	[tilespmem:$0x1D000] =	vst v63  }
0x2a: {  	_ =	swait.ge [sflag:s12], $0x4000  }
0x2b: {  	s19 =	smov.u32 s21;
	[sflag:s12] =	ssyncset.done $0x0  }
0x2c: {  	s18 =	sshra.s32 s18, $0x2;
	[sflag:s12] =	ssyncadd.s32 $0xFFFFC000  }
0x2d: {  	[tilespmem:s15], [sflag:$0x1] =	stream.indirect.gather [hbm4b:s4+s14], $0x80, s18, s14, $0xb8;
	[tilespmem:$0x1D000] =	vst v63  }
0x2e: {  	_ =	swait.ge [sflag:s16], $0x4000  }
0x2f: {  	[sflag:s16] =	ssyncset.done $0x0  }
0x30: {  	s18 =	sadd.s32 $0x2800, s18;
	[sflag:s16] =	ssyncadd.s32 $0xFFFFC000  }
0x31: {  	[spmem:s2] =	stream.indirect.scatter.add.f32 [tilespmem:s15], [sflag:$0x2], $0x80, s18, s14, $0xb8;
	[tilespmem:$0x1D000] =	vst v63  }
0x32: {  	_ =	swait.ge [sflag:s12], $0x4000  }
0x33: {  	s17 =	sadd.s32 $0x1, s17;
	[sflag:s12] =	ssyncset.done $0x0  }
0x34: {  	p0 =	sne.s32 s17, s10;
	[sflag:s12] =	ssyncadd.s32 $0xFFFFC000  }
.Ltmp1:
0x35: {  	[bflag:$0x0] =	sbarrier.arrive $0xFFFF;
	(pc) =	sbr.rel @p0 .LBB2_1-.Ltmp1, $4  }
0x36: {  	[hbm:s9], [sflag:s6] =	dma.local [spmem:s11], $0x2800  }
0x37: {  	_ =	swait.ge [sflag:s12], $0x2800  }
0x38: {  	[sflag:s12] =	ssyncset.done $0x0  }
0x39: {  	[sflag:s12] =	ssyncadd.s32 $0xFFFFD800  }
0x3a: {  	_ =	sfence.sel $0x180000  }
0x3b: {  	[bflag:$0x0] =	sbarrier.arrive $0xFFFF  }
0x3c: {  	p0 =	sne.s32 s0, $0x0;
	_ =	strace $0x9000004D  }
0x3d: {  	s0 =	sadd.s32 @!p0 $0x100000, s1;
	[bflag:$0x2] =	sbarrier.arrive $0xFFFF  }
0x3e: {  	[sflag:s0] =	ssyncadd.tile.s32 @!p0 $0x1;
	_ =	shalt  }
.Lfunc_end2:
_tile_overlayer_lowered:
.L_overlay_start_2:
0x3f: {  	(tag) =	ssettag $0x2  }
0x40: {  	s0 =	rddreg [dreg:$0x0];
	s2 =	stileid.u32  }
0x41: {  	s1 =	rddreg [dreg:$0x1];
	p0 =	sne.s32 s2, $0x0  }
0x42: {  	s3 =	rddreg [dreg:$0x2];
	[bflag:$0x3] =	sbarrier.arrive $0xFFFF;
	s2 =	simm.s32 @!p0 $0x1C02  }
0x43: {  	[timem:s3], [sflag:s2] =	dma.local @!p0 [hbm:s0], s1  }
0x44: {  	s0 =	simm.s32 @!p0 $0x2  }
0x45: {  	_ =	swait.ge @!p0 [sflag:s0], s1  }
0x46: {  	s1 =	ssub.s32 @!p0 $0x0, s1;
	[sflag:s0] =	ssyncset.done @!p0 $0x0  }
0x47: {  	[sflag:s0] =	ssyncadd.s32 @!p0 s1  }
0x48: {  	[bflag:$0x3] =	sbarrier.arrive $0xFFFF  }
0x49: {  	_ =	shalt  }

// kernel: kernel.19.cloned.1.call-start
scs
__scs_entry_jumppad:
0x0: {  	(pc) =	sbr.rel $0x88, $3  }
0x1: {  	(tag) =	ssettag $0x0;
	lr =	simm.s32 $0x1  }
0x2: {  	[smem:$0x3F93] =	sst lr;
	_ =	strace $0xD0000000  }
0x3: {  	_ = 	snop  }
0x4: {  	_ = 	snop  }
0x5: {  	_ = 	snop  }
0x6: {  	_ = 	snop  }
0x7: {  	_ = 	snop  }
__scs_overlays_trampoline_lowered:
0x8: {  	[smem:$0x3FA2] =	sst s0  }
0x9: {  	[smem:$0x3FA3] =	sst s1  }
0xa: {  	[smem:$0x3FA4] =	sst s2  }
0xb: {  	[smem:$0x3FA5] =	sst s3  }
0xc: {  	[smem:$0x3FA6] =	sst s4  }
0xd: {  	[smem:$0x3FA7] =	sst s5  }
0xe: {  	[smem:$0x3FA8] =	sst s6  }
0xf: {  	[smem:$0x3FA9] =	sst s7  }
0x10: {  	[smem:$0x3FAA] =	sst s8  }
0x11: {  	[smem:$0x3FAB] =	sst s9;
	s0 =	simm.s32 @!p0 $0x0  }
0x12: {  	s1 =	sld [smem:$0x3F91];
	s0 =	simm.s32 @p0 $0x1  }
0x13: {  	[smem:$0x3FAC] =	sst s0;
	s0 =	simm.s32 @!p1 $0x0  }
0x14: {  	s2 =	sld [smem:$0x3F90];
	s0 =	simm.s32 @p1 $0x1  }
0x15: {  	[smem:$0x3FAD] =	sst s0;
	s0 =	simm.s32 @!p2 $0x0  }
0x16: {  	s3 =	sld [smem:$0x3FDB];
	s0 =	simm.s32 @p2 $0x1  }
0x17: {  	s4 =	simm.s32 $0x1BF5;
	[smem:$0x3FAF] =	sst s0  }
0x18: {  	s0 =	sld [smem:$0x3F92];
	_ =	swait.ge [sflag:s4], $0x0  }
0x19: {  	s7 =	sld [smem:$0x3F93]  }
0x1a: {  	s8 =	sadd.s32 $0xFFFFE003, lr  }
0x1b: {  	s9 =	sadd.s32 $0xFFFFFEF7, lr;
	s5 =	simm.s32 $0xFFFFFFFF;
	p2 =	slt.u32 s8, $0xFFFFF086  }
0x1c: {  	p1 =	slt.u32 s9, $0xF7A;
	s5 =	simm.s32 @!p2 $0x0  }
0x1d: {  	s5 =	simm.s32 @p1 $0x1;
	p0 =	seq.s32 s7, s2  }
0x1e: {  	s7 =	smul.u32 @!p0 $0xF7A, s2;
	p2 =	seq.s32 @!p0 s5, $0x0  }
0x1f: {  	s9 =	smul.u32 $0xF7A, s1;
	s8 =	simm.s32 @!p0 $0x1BF5;
	p2 =	por !p2, p0  }
0x20: {  	[sflag:s8] =	ssyncset.s32 @!p0 $0xFFFFF086;
	s6 =	sadd.s32 @!p0 s3, s7;
	s7 =	simm.s32 @!p0 $0x108  }
0x21: {  	s3 =	sadd.s32 s3, s9;
	s6 =	sadd.s32 @!p0 $0x88, s6;
	s7 =	simm.s32 @p2 $0x1082  }
0x22: {  	[simem:s7], [sflag:s8] =	dma.local @!p0 [hbm:s6], $0xF7A  }
0x23: {  	s9 =	sor.u32 $0xD0000000, s2;
	s6 =	simm.s32 $0x108;
	_ =	swait.ge @!p0 [sflag:s8], $0x0  }
0x24: {  	s3 =	sadd.s32 $0x88, s3;
	s6 =	simm.s32 @!p1 $0x1082;
	[sflag:s4] =	ssyncset.s32 $0xFFFFF086  }
0x25: {  	[simem:s6], [sflag:s4] =	dma.local [hbm:s3], $0xF7A  }
0x26: {  	[smem:$0x3F93] =	sst s1;
	(tag) =	ssettag s2;
	_ =	strace s9  }
0x27: {  	s1 =	sld [smem:$0x3FA3]  }
0x28: {  	s2 =	sld [smem:$0x3FA4]  }
0x29: {  	s4 =	sld [smem:$0x3FA6]  }
0x2a: {  	p0 =	seq.s32 s5, $0x0;
	s5 =	sld [smem:$0x3FA7]  }
0x2b: {  	s6 =	sld [smem:$0x3FA8]  }
0x2c: {  	s7 =	sld [smem:$0x3FA9]  }
0x2d: {  	s3 =	simm.s32 $0x108;
	s8 =	sld [smem:$0x3FAA]  }
0x2e: {  	s3 =	simm.s32 @!p0 $0x1082;
	s9 =	sld [smem:$0x3FAB]  }
0x2f: {  	lr =	sadd.s32 s0, s3;
	s0 =	sld [smem:$0x3FA2]  }
0x30: {  	s3 =	sld [smem:$0x3FA5]  }
0x31: {  	[smem:$0x3FAE] =	sst s10  }
0x32: {  	s10 =	sld [smem:$0x3FAC];
	_ =	sdelay $0x3  }
0x33: {  	p0 =	seq.s32 s10, $0x1;
	s10 =	sld [smem:$0x3FAE];
	_ =	sdelay $0x3  }
0x34: {  	[smem:$0x3FAE] =	sst s10  }
0x35: {  	s10 =	sld [smem:$0x3FAD];
	_ =	sdelay $0x3  }
0x36: {  	p1 =	seq.s32 s10, $0x1;
	s10 =	sld [smem:$0x3FAE];
	_ =	sdelay $0x3  }
0x37: {  	[smem:$0x3FAE] =	sst s10  }
0x38: {  	s10 =	sld [smem:$0x3FAF]  }
0x39: {  	_ = 	snop;
	(pc) =	sbr.ind lr, $3  }
0x3a: {  	_ = 	snop  }
0x3b: {  	_ = 	snop  }
0x3c: {  	p2 =	seq.s32 s10, $0x1;
	s10 =	sld [smem:$0x3FAE]  }
0x3d: {  	_ =	shalt  }
0x3e: {  	_ =	shalt  }
0x3f: {  	_ =	shalt  }
0x40: {  	_ =	shalt  }
0x41: {  	_ =	shalt  }
0x42: {  	_ =	shalt  }
0x43: {  	_ =	shalt  }
0x44: {  	_ =	shalt  }
0x45: {  	_ =	shalt  }
0x46: {  	_ =	shalt  }
0x47: {  	_ =	shalt  }
0x48: {  	_ =	shalt  }
0x49: {  	_ =	shalt  }
0x4a: {  	_ =	shalt  }
0x4b: {  	_ =	shalt  }
0x4c: {  	_ =	shalt  }
0x4d: {  	_ =	shalt  }
0x4e: {  	_ =	shalt  }
0x4f: {  	_ =	shalt  }
0x50: {  	_ =	shalt  }
0x51: {  	_ =	shalt  }
0x52: {  	_ =	shalt  }
0x53: {  	_ =	shalt  }
0x54: {  	_ =	shalt  }
0x55: {  	_ =	shalt  }
0x56: {  	_ =	shalt  }
0x57: {  	_ =	shalt  }
0x58: {  	_ =	shalt  }
0x59: {  	_ =	shalt  }
0x5a: {  	_ =	shalt  }
0x5b: {  	_ =	shalt  }
0x5c: {  	_ =	shalt  }
0x5d: {  	_ =	shalt  }
0x5e: {  	_ =	shalt  }
0x5f: {  	_ =	shalt  }
0x60: {  	_ =	shalt  }
0x61: {  	_ =	shalt  }
0x62: {  	_ =	shalt  }
0x63: {  	_ =	shalt  }
0x64: {  	_ =	shalt  }
0x65: {  	_ =	shalt  }
0x66: {  	_ =	shalt  }
0x67: {  	_ =	shalt  }
0x68: {  	_ =	shalt  }
0x69: {  	_ =	shalt  }
0x6a: {  	_ =	shalt  }
0x6b: {  	_ =	shalt  }
0x6c: {  	_ =	shalt  }
0x6d: {  	_ =	shalt  }
0x6e: {  	_ =	shalt  }
0x6f: {  	_ =	shalt  }
0x70: {  	_ =	shalt  }
0x71: {  	_ =	shalt  }
0x72: {  	_ =	shalt  }
0x73: {  	_ =	shalt  }
0x74: {  	_ =	shalt  }
0x75: {  	_ =	shalt  }
0x76: {  	_ =	shalt  }
0x77: {  	_ =	shalt  }
0x78: {  	_ =	shalt  }
0x79: {  	_ =	shalt  }
0x7a: {  	_ =	shalt  }
0x7b: {  	_ =	shalt  }
0x7c: {  	_ =	shalt  }
0x7d: {  	_ =	shalt  }
0x7e: {  	_ =	shalt  }
0x7f: {  	_ =	shalt  }
0x80: {  	_ =	shalt  }
0x81: {  	_ =	shalt  }
0x82: {  	_ =	shalt  }
0x83: {  	_ =	shalt  }
0x84: {  	_ =	shalt  }
0x85: {  	_ =	shalt  }
0x86: {  	_ =	shalt  }
0x87: {  	_ =	shalt  }
.Lfunc_end0:
.L_simem_size_0:
called_computation.3_lowered:
.L_overlay_start_0:
0x88: {  	s2 =	sld [smem:$0x3FD9]  }
0x89: {  	s3 =	sld [smem:$0x3FFE];
	_ =	sdelay $0x1  }
0x8a: {  	s1 =	srdreg.scid  }
0x8b: {  	s0 =	sand.u32 $0x1, s1  }
0x8c: {  	s16 =	sshll.u32 s0, $0xA;
	s2 =	sadd.s32 s3, s2  }
0x8d: {  	s2 =	sadd.s32 s2, s16  }
0x8e: {  	[smem:$0x3FBA] =	sst s2  }
0x8f: {  	_ = 	snop  }
0x90: {  	(tm) =	ssettm $0x1  }
0x91: {  	s17 =	sld [smem:$0x3FFB];
	_ =	sdelay $0x3  }
0x92: {  	_ =	strace s17  }
0x93: {  	s2 =	sld [smem:$0x3FFC];
	_ =	sdelay $0x3  }
0x94: {  	_ =	strace s2  }
0x95: {  	s2 =	sld [smem:$0x3FFD];
	_ =	sdelay $0x3  }
0x96: {  	_ =	strace s2  }
0x97: {  	_ =	strace $0x8FFFFFFF  }
0x98: {  	s18 =	sld [smem:$0x3FDB];
	_ =	sdelay $0x1  }
0x99: {  	s19 =	simm.s32 $_scs_section_size  }
0x9a: {  	s4 =	simm.s32 $_size__tile_overlayer_lowered;
	s5 =	simm.s32 $_tile_overlayer_lowered  }
0x9b: {  	s22 =	simm.s32 $0x1BFF;
	s21 =	sshll.u32 s5, $0x1;
	s2 =	sadd.s32 s19, s18  }
0x9c: {  	s6 =	simm.s32 $0x0;
	s20 =	sshll.u32 s4, $0x1;
	s4 =	sadd.s32 s21, s2  }
0x9d: {  	[timem:s6], [sflag:s22] =	dma.local [hbm:s4], s20  }
0x9e: {  	_ =	swait.ge [sflag:s22], s20  }
0x9f: {  	s3 =	ssub.s32 $0x0, s20;
	[sflag:s22] =	ssyncset.done $0x0  }
0xa0: {  	[sflag:s22] =	ssyncadd.s32 s3;
	_ =	sdelay $0x1  }
0xa1: {  	s23 =	simm.s32 $0x1B8B  }
0xa2: {  	_ =	swait.ge [sflag:s23], $0x1  }
0xa3: {  	[sflag:s23] =	ssyncset.done $0x0  }
0xa4: {  	s25 =	simm.s32 $0x1B8E;
	s24 =	sld [smem:$0x3FFE];
	[sflag:s23] =	ssyncadd.s32 $0xFFFFFFFF  }
0xa5: {  	s26 =	simm.s32 $execute0_lowered;
	[smem:$0x3FD2] =	sst s25  }
0xa6: {  	s4 =	sshll.u32 s26, $0x1;
	_ =	strace $0x8000004F;
	[dreg:$0x1] =	wrdreg $0xFFFFFFFF  }
0xa7: {  	s28 =	simm.s32 $_size_execute0_lowered;
	s2 =	sadd.s32 s2, s4;
	[dreg:$0x0] =	wrdreg $0x0  }
0xa8: {  	s4 =	sshll.u32 s28, $0x1;
	[dreg:$0x2] =	wrdreg s2  }
0xa9: {  	[dreg:$0x3] =	wrdreg s4  }
0xaa: {  	[dreg:$0x4] =	wrdreg $0xC0  }
0xab: {  	_ =	task [dreg:s6], $0x5FFFF  }
0xac: {  	[dreg:$0x1] =	wrdreg $0xFFFFFFFF  }
0xad: {  	[dreg:$0x0] =	wrdreg $0x60  }
0xae: {  	[dreg:$0x2] =	wrdreg s24  }
0xaf: {  	[dreg:$0x3] =	wrdreg $0x90000  }
0xb0: {  	[dreg:$0x4] =	wrdreg $0x9  }
0xb1: {  	_ =	task.clear_ibuf [dreg:s6], $0x5FFFF;
	_ =	strace $0x9000004F  }
0xb2: {  	s29 =	simm.s32 $0x9;
	_ =	strace $0x80000051  }
0xb3: {  	_ =	swait.ge [sflag:s29], $0x1  }
0xb4: {  	[sflag:s29] =	ssyncadd.s32 $0xFFFFFFFF  }
0xb5: {  	_ =	strace $0x90000051  }
0xb6: {  	_ =	sfence  }
0xb7: {  	s30 =	sld [smem:$0x0];
	_ =	sdelay $0x2  }
0xb8: {  	s31 =	sshll.u32 s1, $0xD;
	s1 =	sshrl.u32 s1, $0x2  }
0xb9: {  	s3 =	sand.u32 $0x4000, s31;
	s1 =	sadd.s32 s1, s30  }
0xba: {  	s0 =	sor.u32 s3, s0;
	s1 =	sshll.u32 s1, $0x11  }
0xbb: {  	s0 =	sor.u32 s1, s0  }
0xbc: {  	s0 =	sadd.s32 $0x8F2B, s0  }
0xbd: {  	[sflag:s0] =	ssyncadd.remote.s32 $0x1  }
0xbe: {  	_ =	sfence.sel $0xFFFF  }
0xbf: {  	[dreg:$0x0] =	wrdreg $0xFFFFFFFF;
	(pc) =	sbr.abs _section_cstart, $3  }
0xc0: {  	[dreg:$0x1] =	wrdreg $0xFFFFFFFF  }
0xc1: {  	_ =	task.clear_ibuf [dreg:s6], $0x2FFFF;
	_ =	strace $0x9FFFFFFF  }
0xc2: {  	(tm) =	ssettm $0x7FFFFFFF  }
0xc3: {  	_ =	shalt  }
tec
execute0_lowered:
.L_overlay_start_1:
0x0: {  	(tag) =	ssettag $0x1  }
0x1: {  	s6 =	rddreg [dreg:$0x0]  }
0x2: {  	s0 =	srdreg.scid;
	s2 =	rddreg [dreg:$0x1]  }
0x3: {  	s3 =	simm.s32 $0x0;
	s5 =	sand.u32 $0x1, s0;
	s0 =	stileid.u32  }
0x4: {  	s15 =	simm.s32 $0x5000;
	s16 =	simm.s32 $0x1;
	s8 =	smul.u32 $0x2800, s0  }
0x5: {  	s17 =	simm.s32 $0x0;
	[smem:$0x7FF] =	sst s3;
	s9 =	smul.u32 $0x28000, s5  }
0x6: {  	s1 =	sshll.u32 s5, $0x4;
	s5 =	ssub.s32 $0x2, s5;
	s28 =	smul.u32 $0x50000, s0  }
0x7: {  	s31 =	sshll.u32 s0, $0x6;
	s4 =	sor.u32 s0, s1;
	s1 =	rddreg [dreg:$0x2]  }
0x8: {  	_ =	strace $0x80000050;
	s29 =	sshrl.u32 s5, $0x1;
	s7 =	smul.u32 $0x500, s4  }
0x9: {  	s4 =	sadd.s32 $0xC800, s6;
	s11 =	sadd.s32 s8, s6;
	s8 =	sadd.s32 s8, s9  }
0xa: {  	s13 =	ssub.s32 s5, s29;
	s30 =	sshrl.u32 s28, $0x2;
	s12 =	sadd.s32 s8, s6  }
0xb: {  	s14 =	sadd.s32 s30, s2;
	s5 =	sadd.s32 $0x8DA00, s11;
	s10 =	sadd.s32 s7, s6  }
0xc: {  	s6 =	sor.u32 $0x1C02, s31;
	s9 =	sadd.s32 $0xB5A00, s12;
	s11 =	sshrl.u32 s14, $0x3  }
0xd: {  	s12 =	simm.s32 $0x2;
	s14 =	simm.s32 $0x80;
	s7 =	sadd.s32 $0x33A00, s10  }
0xe: {  	s8 =	sadd.s32 $0x2800, s10;
	s10 =	smax.u32 s13, $0x1;
	s13 =	simm.s32 $0x2800  }
.LBB2_1:
0xf: {  	[spmem:s11], [sflag:s6] =	dma.local [hbm:s5], $0x2800  }
0x10: {  	_ =	swait.ge [sflag:s12], $0x2800  }
0x11: {  	[sflag:s12] =	ssyncset.done $0x0  }
0x12: {  	[sflag:s12] =	ssyncadd.s32 $0xFFFFD800  }
0x13: {  	[tilespmem:s3], [sflag:$0x2] =	stream.linear.gather [hbm4b:s7+s3], $0x2780, $0x38;
	[tilespmem:$0x1D000] =	vst v63  }
0x14: {  	_ =	swait.ge [sflag:s12], $0x2780  }
0x15: {  	[sflag:s12] =	ssyncset.done $0x0  }
0x16: {  	[sflag:s12] =	ssyncadd.s32 $0xFFFFD880  }
0x17: {  	[tilespmem:s13], [sflag:$0x2] =	stream.linear.gather [hbm4b:s8+s3], $0x2780, $0x38;
	[tilespmem:$0x1D000] =	vst v63  }
0x18: {  	_ =	swait.ge [sflag:s12], $0x2780  }
0x19: {  	[sflag:s12] =	ssyncset.done $0x0  }
0x1a: {  	[sflag:s12] =	ssyncadd.s32 $0xFFFFD880  }
0x1b: {  	s18 =	simm.s32 $0x0;
	[bflag:$0x0] =	sbarrier.arrive $0xFFFF  }
0x1c: {  	[tilespmem:s15], [sflag:$0x1] =	stream.indirect.gather [hbm4b:s4+s14], $0x80, s18, s14, $0xb8;
	[tilespmem:$0x1D000] =	vst v63  }
0x1d: {  	_ =	swait.ge [sflag:s16], $0x4000  }
0x1e: {  	[sflag:s16] =	ssyncset.done $0x0  }
0x1f: {  	s31 =	simm.s32 $0x2800;
	[sflag:s16] =	ssyncadd.s32 $0xFFFFC000  }
0x20: {  	[spmem:s2] =	stream.indirect.scatter.add.f32 [tilespmem:s15], [sflag:$0x2], $0x80, s31, s14, $0xb8;
	[tilespmem:$0x1D000] =	vst v63  }
0x21: {  	_ =	swait.ge [sflag:s12], $0x4000  }
0x22: {  	s19 =	simm.s32 $0x400;
	s18 =	simm.s32 $0x200;
	[sflag:s12] =	ssyncset.done $0x0  }
.LBB2_2:
0x23: {  	s20 =	sshra.s32 s18, $0x2  }
0x24: {  	[sflag:s12] =	ssyncadd.s32 $0xFFFFC000;
	s18 =	smov.u32 s19;
	s21 =	sadd.s32 $0x200, s19  }
0x25: {  	[tilespmem:s15], [sflag:$0x1] =	stream.indirect.gather [hbm4b:s4+s14], $0x80, s20, s14, $0xb8;
	[tilespmem:$0x1D000] =	vst v63  }
0x26: {  	p0 =	sne.s32 s19, $0x9C00;
	_ =	swait.ge [sflag:s16], $0x4000  }
.Ltmp0:
0x27: {  	[sflag:s16] =	ssyncset.done $0x0;
	(pc) =	sbr.rel @p0 .LBB2_2-.Ltmp0, $4  }
0x28: {  	s19 =	sadd.s32 $0x2800, s20;
	[sflag:s16] =	ssyncadd.s32 $0xFFFFC000  }
0x29: {  	[spmem:s2] =	stream.indirect.scatter.add.f32 [tilespmem:s15], [sflag:$0x2], $0x80, s19, s14, $0xb8;
	[tilespmem:$0x1D000] =	vst v63  }
0x2a: {  	_ =	swait.ge [sflag:s12], $0x4000  }
0x2b: {  	s19 =	smov.u32 s21;
	[sflag:s12] =	ssyncset.done $0x0  }
0x2c: {  	s18 =	sshra.s32 s18, $0x2;
	[sflag:s12] =	ssyncadd.s32 $0xFFFFC000  }
0x2d: {  	[tilespmem:s15], [sflag:$0x1] =	stream.indirect.gather [hbm4b:s4+s14], $0x80, s18, s14, $0xb8;
	[tilespmem:$0x1D000] =	vst v63  }
0x2e: {  	_ =	swait.ge [sflag:s16], $0x4000  }
0x2f: {  	[sflag:s16] =	ssyncset.done $0x0  }
0x30: {  	s18 =	sadd.s32 $0x2800, s18;
	[sflag:s16] =	ssyncadd.s32 $0xFFFFC000  }
0x31: {  	[spmem:s2] =	stream.indirect.scatter.add.f32 [tilespmem:s15], [sflag:$0x2], $0x80, s18, s14, $0xb8;
	[tilespmem:$0x1D000] =	vst v63  }
0x32: {  	_ =	swait.ge [sflag:s12], $0x4000  }
0x33: {  	s17 =	sadd.s32 $0x1, s17;
	[sflag:s12] =	ssyncset.done $0x0  }
0x34: {  	p0 =	sne.s32 s17, s10;
	[sflag:s12] =	ssyncadd.s32 $0xFFFFC000  }
.Ltmp1:
0x35: {  	[bflag:$0x0] =	sbarrier.arrive $0xFFFF;
	(pc) =	sbr.rel @p0 .LBB2_1-.Ltmp1, $4  }
0x36: {  	[hbm:s9], [sflag:s6] =	dma.local [spmem:s11], $0x2800  }
0x37: {  	_ =	swait.ge [sflag:s12], $0x2800  }
0x38: {  	[sflag:s12] =	ssyncset.done $0x0  }
0x39: {  	[sflag:s12] =	ssyncadd.s32 $0xFFFFD800  }
0x3a: {  	_ =	sfence.sel $0x180000  }
0x3b: {  	[bflag:$0x0] =	sbarrier.arrive $0xFFFF  }
0x3c: {  	p0 =	sne.s32 s0, $0x0;
	_ =	strace $0x90000050  }
0x3d: {  	s0 =	sadd.s32 @!p0 $0x100000, s1;
	[bflag:$0x2] =	sbarrier.arrive $0xFFFF  }
0x3e: {  	[sflag:s0] =	ssyncadd.tile.s32 @!p0 $0x1;
	_ =	shalt  }
.Lfunc_end2:
_tile_overlayer_lowered:
.L_overlay_start_2:
0x3f: {  	(tag) =	ssettag $0x2  }
0x40: {  	s0 =	rddreg [dreg:$0x0];
	s2 =	stileid.u32  }
0x41: {  	s1 =	rddreg [dreg:$0x1];
	p0 =	sne.s32 s2, $0x0  }
0x42: {  	s3 =	rddreg [dreg:$0x2];
	[bflag:$0x3] =	sbarrier.arrive $0xFFFF;
	s2 =	simm.s32 @!p0 $0x1C02  }
0x43: {  	[timem:s3], [sflag:s2] =	dma.local @!p0 [hbm:s0], s1  }
0x44: {  	s0 =	simm.s32 @!p0 $0x2  }
0x45: {  	_ =	swait.ge @!p0 [sflag:s0], s1  }
0x46: {  	s1 =	ssub.s32 @!p0 $0x0, s1;
	[sflag:s0] =	ssyncset.done @!p0 $0x0  }
0x47: {  	[sflag:s0] =	ssyncadd.s32 @!p0 s1  }
0x48: {  	[bflag:$0x3] =	sbarrier.arrive $0xFFFF  }
0x49: {  	_ =	shalt  }

</sc_bundles>
